<compile_context>
chip_gen: v7x
topology: tpu7x:2x2x1
jax: 0.10.2.dev20260603
libtpu: 0.0.44.dev20260713+nightly
codegen_flags: <defaults>
</compile_context>

<pallas_src>
import functools

import jax
import jax.numpy as jnp
from jax import lax
from jax.experimental import pallas as pl
from jax.experimental.pallas import tpu as pltpu
from jax.experimental.pallas import tpu_sc as plsc

B = 16384
D = 16
NEG = 4
V = 1000000
NC = 2
NS = 16
NW = NC * NS
BPW = B // NW
NPW = (NEG * B) // NW

_mesh = plsc.VectorSubcoreMesh(
    core_axis_name="c", subcore_axis_name="s", num_cores=NC, num_subcores=NS
)


@functools.partial(
    pl.kernel,
    out_type=(
        jax.ShapeDtypeStruct((D, B), jnp.float32),
        jax.ShapeDtypeStruct((D, B), jnp.float32),
        jax.ShapeDtypeStruct((NEG, D, B), jnp.float32),
    ),
    mesh=_mesh,
    compiler_params=pltpu.CompilerParams(use_tc_tiling_on_sc=False),
    scratch_types=[
        pltpu.VMEM((BPW,), jnp.int32),
        pltpu.VMEM((BPW,), jnp.int32),
        pltpu.VMEM((NPW,), jnp.int32),
        pltpu.VMEM((NPW,), jnp.int32),
        pltpu.VMEM((D, BPW), jnp.float32),
        pltpu.VMEM((D, BPW), jnp.float32),
        pltpu.VMEM((D, NPW), jnp.float32),
        pltpu.SemaphoreType.DMA,
        pltpu.SemaphoreType.DMA,
        pltpu.SemaphoreType.DMA,
    ],
)
def _sc_gather(uid_hbm, pid_hbm, nid_hbm, ut_hbm, it_hbm,
               ue_out, pe_out, ne_out,
               idx_u, idx_p, idx_q, idx_n, rows_u, rows_p, rows_n,
               s1, s2, s3):
    wid = lax.axis_index("c") * NS + lax.axis_index("s")
    ub = wid * BPW
    lane16 = lax.iota(jnp.int32, 16)

    pltpu.sync_copy(uid_hbm.at[pl.ds(ub, BPW)], idx_u)
    pltpu.sync_copy(pid_hbm.at[pl.ds(ub, BPW)], idx_p)

    jj = wid // 8
    b0 = (wid % 8) * NPW

    def qbody(g, _):
        q = (b0 * 4 + jj * 128) + (g // 8) * 512 + (g % 8) * 16
        idx_q[pl.ds(g * 16, 16)] = lane16 + q
        return _

    lax.fori_loop(0, NPW // 16, qbody, None)
    pltpu.async_copy(nid_hbm.at[idx_q], idx_n, s3).wait()

    def gather_planes(idx_ref, tbl, rows, sem):
        copies = [
            pltpu.async_copy(tbl.at[d].at[idx_ref], rows.at[d], sem)
            for d in range(D)
        ]
        for cp in copies:
            cp.wait()

    gather_planes(idx_u, ut_hbm, rows_u, s1)
    pltpu.sync_copy(rows_u, ue_out.at[:, pl.ds(ub, BPW)])
    gather_planes(idx_p, it_hbm, rows_p, s2)
    pltpu.sync_copy(rows_p, pe_out.at[:, pl.ds(ub, BPW)])
    gather_planes(idx_n, it_hbm, rows_n, s3)
    pltpu.sync_copy(rows_n, ne_out.at[jj, :, pl.ds(b0, NPW)])


def _tc_loss_body(ue_ref, pe_ref, ne_ref, out_ref):
    u = ue_ref[...]
    su = jnp.sum(u * u, axis=0, keepdims=True)
    ru = jnp.sqrt(su)
    acc = None
    for k in range(NEG + 1):
        v = pe_ref[...] if k == 0 else ne_ref[k - 1]
        dot = jnp.sum(u * v, axis=0, keepdims=True)
        sv = jnp.sum(v * v, axis=0, keepdims=True)
        denom = jnp.sqrt(sv) * ru + 1e-6
        d = (dot / denom + 1.0) * 0.5
        term = jnp.log(d + 1e-6) if k == 0 else jnp.log(1.0 - d + 1e-6)
        acc = term if acc is None else acc + term
    out_ref[0, 0] = -jnp.sum(acc) / B


_tc_loss = pl.pallas_call(
    _tc_loss_body,
    out_shape=jax.ShapeDtypeStruct((1, 1), jnp.float32),
    out_specs=pl.BlockSpec(memory_space=pltpu.SMEM),
)


def kernel(userid, itemid, user_feature, item_feature, neg_sample,
           user_table, item_table):
    uid = userid.reshape(B).astype(jnp.int32)
    pid = itemid.reshape(B).astype(jnp.int32)
    nid = neg_sample.reshape(128, 128, NEG).transpose(0, 2, 1).reshape(NEG * B)
    ue, pe, ne = _sc_gather(uid, pid, nid, user_table.T, item_table.T)
    return _tc_loss(ue, pe, ne)[0, 0]

# --- scband reference (transcript-rebuilt; emitter-appended) ---
"""Pipeline reference for scband-dssmmodel-41944650613220 (READ-ONLY COPY).

The authoritative reference and input builder live on the scoring server;
editing this copy changes nothing except your own understanding.
"""

import jax, jax.numpy as jnp
import numpy as np

USER_NUM = 1000000
ITEM_NUM = 1000000
DIM = 16
BATCH = 16384
NEG = 4

def setup_inputs(seed: int = 0) -> dict:
    key = jax.random.key(seed)
    k1, k2, k3, k4, k5, k6, k7 = jax.random.split(key, 7)
    userid = jax.random.randint(k1, (BATCH, 1), 0, USER_NUM, dtype=jnp.int64 if jax.config.jax_enable_x64 else jnp.int32)
    itemid = jax.random.randint(k2, (BATCH, 1), 0, ITEM_NUM, dtype=jnp.int64 if jax.config.jax_enable_x64 else jnp.int32)
    neg_sample = jax.random.randint(k3, (BATCH, NEG), 0, ITEM_NUM, dtype=jnp.int64 if jax.config.jax_enable_x64 else jnp.int32)
    user_feature = jax.random.normal(k4, (BATCH, DIM), dtype=jnp.float32)
    item_feature = jax.random.normal(k5, (BATCH, DIM), dtype=jnp.float32)
    # xavier_uniform init for embedding tables
    a_u = float(np.sqrt(6.0 / (USER_NUM + DIM)))
    a_i = float(np.sqrt(6.0 / (ITEM_NUM + DIM)))
    user_table = jax.random.uniform(k6, (USER_NUM, DIM), minval=-a_u, maxval=a_u, dtype=jnp.float32)
    item_table = jax.random.uniform(k7, (ITEM_NUM, DIM), minval=-a_i, maxval=a_i, dtype=jnp.float32)
    return {"userid": userid, "itemid": itemid, "user_feature": user_feature, "item_feature": item_feature, "neg_sample": neg_sample, "user_table": user_table, "item_table": item_table}

def reference(userid, itemid, user_feature, item_feature, neg_sample, user_table, item_table):
    # data_type == 'random' -> RandomNegLoss. user_feature/item_feature are unused by the torch forward.
    b = userid.shape[0]
    user_emb = jnp.take(user_table, userid, axis=0)      # [b, 1, dim]
    item_emb = jnp.take(item_table, itemid, axis=0)      # [b, 1, dim]
    neg_emb = jnp.take(item_table, neg_sample, axis=0)   # [b, neg, dim]
    cat_item_emb = jnp.concatenate([item_emb, neg_emb], axis=1)            # [b, 1+neg, dim]
    cat_item_emb_len = jnp.sqrt(jnp.sum(cat_item_emb * cat_item_emb, axis=-1))  # [b, 1+neg]
    user_emb_len = jnp.sqrt(jnp.sum(user_emb * user_emb, axis=-1))              # [b, 1]
    user_item_len_dot = cat_item_emb_len * user_emb_len                         # [b, 1+neg]
    dot_product = jnp.squeeze(jnp.matmul(user_emb, jnp.swapaxes(cat_item_emb, 1, 2)), axis=1)  # [b, 1+neg]
    dot_product = dot_product / (user_item_len_dot + 1e-06)
    label = jnp.zeros_like(dot_product).at[:, 0].set(1.0)
    dot_product = (dot_product + 1.0) / 2.0
    loss = label * jnp.log(dot_product + 1e-06) + (1.0 - label) * jnp.log(1.0 - dot_product + 1e-06)
    loss = -loss
    loss = loss.sum()
    return loss / b

if __name__ == "__main__":
    import jax
    _d = setup_inputs()
    print(jax.jit(kernel)(*tuple(_d.values())))

</pallas_src>

<mosaic_0001>
#map = affine_map<(d0, d1) -> (0)>
#map1 = affine_map<(d0, d1) -> (0, 0)>
#map2 = affine_map<(d0, d1) -> (0, 0, 0)>
module attributes {stable_mosaic.version = 14 : i64} {
  func.func @_sc_gather(%arg0: i32, %arg1: i32, %arg2: memref<16384xi32, #tpu.memory_space<hbm>>, %arg3: memref<16384xi32, #tpu.memory_space<hbm>>, %arg4: memref<65536xi32, #tpu.memory_space<hbm>>, %arg5: memref<16x1000000xf32, #tpu.memory_space<hbm>>, %arg6: memref<16x1000000xf32, #tpu.memory_space<hbm>>, %arg7: memref<16x16384xf32, #tpu.memory_space<hbm>>, %arg8: memref<16x16384xf32, #tpu.memory_space<hbm>>, %arg9: memref<4x16x16384xf32, #tpu.memory_space<hbm>>, %arg10: memref<512xi32, #tpu.memory_space<vmem>>, %arg11: memref<512xi32, #tpu.memory_space<vmem>>, %arg12: memref<2048xi32, #tpu.memory_space<vmem>>, %arg13: memref<2048xi32, #tpu.memory_space<vmem>>, %arg14: memref<16x512xf32, #tpu.memory_space<vmem>>, %arg15: memref<16x512xf32, #tpu.memory_space<vmem>>, %arg16: memref<16x2048xf32, #tpu.memory_space<vmem>>, %arg17: memref<!tpu.dma_semaphore, #tpu.memory_space<semaphore_mem>>, %arg18: memref<!tpu.dma_semaphore, #tpu.memory_space<semaphore_mem>>, %arg19: memref<!tpu.dma_semaphore, #tpu.memory_space<semaphore_mem>>) attributes {dimension_semantics = [#tpu.dimension_semantics<core_parallel>, #tpu.dimension_semantics<subcore_parallel>], iteration_bounds = array<i64: 2, 16>, scalar_prefetch = 0 : i64, scratch_operands = 10 : i64, tpu.core_type = #tpu.core_type<sc_vector_subcore>, window_params = [{transform_indices = #map}, {transform_indices = #map}, {transform_indices = #map}, {transform_indices = #map1}, {transform_indices = #map1}, {transform_indices = #map1}, {transform_indices = #map1}, {transform_indices = #map2}]} {
    %mul3A = arith.constant 16 : i32
    %mul3A_0 = arith.muli %arg0, %mul3A : i32
    %add3A = arith.addi %mul3A_0, %arg1 : i32
    %mul3A_1 = arith.constant 512 : i32
    %mul3A_2 = arith.muli %add3A, %mul3A_1 : i32
    %iota3A = tpu.iota {dimensions = array<i32: 0>} : vector<16xi32>
    "tpu.region"() ({
      %run_scoped3A = tpu.sem_alloc : memref<!tpu.dma_semaphore, #tpu.memory_space<semaphore_mem>>
      %dma_start3A_1001 = tpu.memref_slice %arg2[%mul3A_2] : memref<16384xi32, #tpu.memory_space<hbm>> -> memref<512xi32, #tpu.memory_space<hbm>>
      %dma_start3A_1002 = tpu.memref_slice %arg2[%mul3A_2] : memref<16384xi32, #tpu.memory_space<hbm>> -> memref<512xi32, #tpu.memory_space<hbm>>
      tpu.enqueue_dma source(%dma_start3A_1002 : memref<512xi32, #tpu.memory_space<hbm>>) target(%arg10 : memref<512xi32, #tpu.memory_space<vmem>>) target_semaphore(%run_scoped3A : memref<!tpu.dma_semaphore, #tpu.memory_space<semaphore_mem>>)
      %dma_wait3A_1003 = tpu.memref_slice %arg2[%mul3A_2] : memref<16384xi32, #tpu.memory_space<hbm>> -> memref<512xi32, #tpu.memory_space<hbm>>
      %dma_wait3A_1004 = tpu.memref_slice %arg2[%mul3A_2] : memref<16384xi32, #tpu.memory_space<hbm>> -> memref<512xi32, #tpu.memory_space<hbm>>
      tpu.wait_dma2 semaphore(%run_scoped3A : memref<!tpu.dma_semaphore, #tpu.memory_space<semaphore_mem>>) src(%dma_wait3A_1004 : memref<512xi32, #tpu.memory_space<hbm>>) dst(%arg10 : memref<512xi32, #tpu.memory_space<vmem>>)
      tpu.yield
    }) : () -> ()
    "tpu.region"() ({
      %run_scoped3A = tpu.sem_alloc : memref<!tpu.dma_semaphore, #tpu.memory_space<semaphore_mem>>
      %dma_start3A_1001 = tpu.memref_slice %arg3[%mul3A_2] : memref<16384xi32, #tpu.memory_space<hbm>> -> memref<512xi32, #tpu.memory_space<hbm>>
      %dma_start3A_1002 = tpu.memref_slice %arg3[%mul3A_2] : memref<16384xi32, #tpu.memory_space<hbm>> -> memref<512xi32, #tpu.memory_space<hbm>>
      tpu.enqueue_dma source(%dma_start3A_1002 : memref<512xi32, #tpu.memory_space<hbm>>) target(%arg11 : memref<512xi32, #tpu.memory_space<vmem>>) target_semaphore(%run_scoped3A : memref<!tpu.dma_semaphore, #tpu.memory_space<semaphore_mem>>)
      %dma_wait3A_1003 = tpu.memref_slice %arg3[%mul3A_2] : memref<16384xi32, #tpu.memory_space<hbm>> -> memref<512xi32, #tpu.memory_space<hbm>>
      %dma_wait3A_1004 = tpu.memref_slice %arg3[%mul3A_2] : memref<16384xi32, #tpu.memory_space<hbm>> -> memref<512xi32, #tpu.memory_space<hbm>>
      tpu.wait_dma2 semaphore(%run_scoped3A : memref<!tpu.dma_semaphore, #tpu.memory_space<semaphore_mem>>) src(%dma_wait3A_1004 : memref<512xi32, #tpu.memory_space<hbm>>) dst(%arg11 : memref<512xi32, #tpu.memory_space<vmem>>)
      tpu.yield
    }) : () -> ()
    %jit3A = arith.constant 8 : i32
    %div3A = arith.divsi %add3A, %jit3A : i32
    %sign3A = arith.constant 0 : i32
    %sign3A_3 = arith.cmpi sgt, %add3A, %sign3A : i32
    %sign3A_4 = arith.extui %sign3A_3 : i1 to i32
    %sign3A_5 = arith.constant 0 : i32
    %sign3A_6 = arith.cmpi slt, %add3A, %sign3A_5 : i32
    %sign3A_7 = arith.extui %sign3A_6 : i1 to i32
    %sign3A_8 = arith.subi %sign3A_4, %sign3A_7 : i32
    %sign3A_9 = arith.constant 0 : i32
    %sign3A_10 = arith.cmpi sgt, %jit3A, %sign3A_9 : i32
    %sign3A_11 = arith.extui %sign3A_10 : i1 to i32
    %sign3A_12 = arith.constant 0 : i32
    %sign3A_13 = arith.cmpi slt, %jit3A, %sign3A_12 : i32
    %sign3A_14 = arith.extui %sign3A_13 : i1 to i32
    %sign3A_15 = arith.subi %sign3A_11, %sign3A_14 : i32
    %ne3A = arith.cmpi ne, %sign3A_8, %sign3A_15 : i32
    %rem3A = arith.remsi %add3A, %jit3A : i32
    %ne3A_16 = arith.constant 0 : i32
    %ne3A_17 = arith.cmpi ne, %rem3A, %ne3A_16 : i32
    %and3A = arith.andi %ne3A, %ne3A_17 : i1
    %sub3A = arith.constant 1 : i32
    %sub3A_18 = arith.subi %div3A, %sub3A : i32
    %select_n3A = arith.select %and3A, %sub3A_18, %div3A : i32
    %jit3A_19 = arith.constant 8 : i32
    %eq3A = arith.constant 0 : i32
    %eq3A_20 = arith.cmpi eq, %jit3A_19, %eq3A : i32
    %jit3A_21 = arith.constant 1 : i32
    %select_n3A_22 = arith.select %eq3A_20, %jit3A_21, %jit3A_19 : i32
    %rem3A_23 = arith.remsi %add3A, %select_n3A_22 : i32
    %ne3A_24 = arith.constant 0 : i32
    %ne3A_25 = arith.cmpi ne, %rem3A_23, %ne3A_24 : i32
    %lt3A = arith.constant 0 : i32
    %lt3A_26 = arith.cmpi slt, %rem3A_23, %lt3A : i32
    %lt3A_27 = arith.constant 0 : i32
    %lt3A_28 = arith.cmpi slt, %select_n3A_22, %lt3A_27 : i32
    %ne3A_29 = arith.xori %lt3A_26, %lt3A_28 : i1
    %and3A_30 = arith.andi %ne3A_29, %ne3A_25 : i1
    %add3A_31 = arith.addi %rem3A_23, %select_n3A_22 : i32
    %select_n3A_32 = arith.select %and3A_30, %add3A_31, %rem3A_23 : i32
    %mul3A_33 = arith.constant 2048 : i32
    %mul3A_34 = arith.muli %select_n3A_32, %mul3A_33 : i32
    %scan3A = arith.constant 0 : i32
    %scan3A_35 = arith.constant 128 : i32
    %scan3A_36 = arith.addi %scan3A, %scan3A_35 : i32
    %scan3A_37 = arith.constant 1 : i32
    scf.for %scan3A_1001 = %scan3A to %scan3A_36 step %scan3A_37  : i32 {
      %mul3A_1002 = arith.constant 4 : i32
      %mul3A_1003 = arith.muli %mul3A_34, %mul3A_1002 : i32
      %mul3A_1004 = arith.constant 128 : i32
      %mul3A_1005 = arith.muli %select_n3A, %mul3A_1004 : i32
      %add3A_1006 = arith.addi %mul3A_1003, %mul3A_1005 : i32
      %jit3A_1007 = arith.constant 8 : i32
      %div3A_1008 = arith.divsi %scan3A_1001, %jit3A_1007 : i32
      %sign3A_1009 = arith.constant 0 : i32
      %sign3A_1010 = arith.cmpi sgt, %scan3A_1001, %sign3A_1009 : i32
      %sign3A_1011 = arith.extui %sign3A_1010 : i1 to i32
      %sign3A_1012 = arith.constant 0 : i32
      %sign3A_1013 = arith.cmpi slt, %scan3A_1001, %sign3A_1012 : i32
      %sign3A_1014 = arith.extui %sign3A_1013 : i1 to i32
      %sign3A_1015 = arith.subi %sign3A_1011, %sign3A_1014 : i32
      %sign3A_1016 = arith.constant 0 : i32
      %sign3A_1017 = arith.cmpi sgt, %jit3A_1007, %sign3A_1016 : i32
      %sign3A_1018 = arith.extui %sign3A_1017 : i1 to i32
      %sign3A_1019 = arith.constant 0 : i32
      %sign3A_1020 = arith.cmpi slt, %jit3A_1007, %sign3A_1019 : i32
      %sign3A_1021 = arith.extui %sign3A_1020 : i1 to i32
      %sign3A_1022 = arith.subi %sign3A_1018, %sign3A_1021 : i32
      %ne3A_1023 = arith.cmpi ne, %sign3A_1015, %sign3A_1022 : i32
      %rem3A_1024 = arith.remsi %scan3A_1001, %jit3A_1007 : i32
      %ne3A_1025 = arith.constant 0 : i32
      %ne3A_1026 = arith.cmpi ne, %rem3A_1024, %ne3A_1025 : i32
      %and3A_1027 = arith.andi %ne3A_1023, %ne3A_1026 : i1
      %sub3A_1028 = arith.constant 1 : i32
      %sub3A_1029 = arith.subi %div3A_1008, %sub3A_1028 : i32
      %select_n3A_1030 = arith.select %and3A_1027, %sub3A_1029, %div3A_1008 : i32
      %mul3A_1031 = arith.constant 512 : i32
      %mul3A_1032 = arith.muli %select_n3A_1030, %mul3A_1031 : i32
      %add3A_1033 = arith.addi %add3A_1006, %mul3A_1032 : i32
      %jit3A_1034 = arith.constant 8 : i32
      %eq3A_1035 = arith.constant 0 : i32
      %eq3A_1036 = arith.cmpi eq, %jit3A_1034, %eq3A_1035 : i32
      %jit3A_1037 = arith.constant 1 : i32
      %select_n3A_1038 = arith.select %eq3A_1036, %jit3A_1037, %jit3A_1034 : i32
      %rem3A_1039 = arith.remsi %scan3A_1001, %select_n3A_1038 : i32
      %ne3A_1040 = arith.constant 0 : i32
      %ne3A_1041 = arith.cmpi ne, %rem3A_1039, %ne3A_1040 : i32
      %lt3A_1042 = arith.constant 0 : i32
      %lt3A_1043 = arith.cmpi slt, %rem3A_1039, %lt3A_1042 : i32
      %lt3A_1044 = arith.constant 0 : i32
      %lt3A_1045 = arith.cmpi slt, %select_n3A_1038, %lt3A_1044 : i32
      %ne3A_1046 = arith.xori %lt3A_1043, %lt3A_1045 : i1
      %and3A_1047 = arith.andi %ne3A_1046, %ne3A_1041 : i1
      %add3A_1048 = arith.addi %rem3A_1039, %select_n3A_1038 : i32
      %select_n3A_1049 = arith.select %and3A_1047, %add3A_1048, %rem3A_1039 : i32
      %mul3A_1050 = arith.constant 16 : i32
      %mul3A_1051 = arith.muli %select_n3A_1049, %mul3A_1050 : i32
      %add3A_1052 = arith.addi %add3A_1033, %mul3A_1051 : i32
      %add3A_1053 = vector.broadcast %add3A_1052 : i32 to vector<16xi32>
      %add3A_1054 = arith.addi %iota3A, %add3A_1053 : vector<16xi32>
      %mul3A_1055 = arith.constant 16 : i32
      %mul3A_1056 = arith.muli %scan3A_1001, %mul3A_1055 : i32
      %swap3A = arith.index_cast %mul3A_1056 : i32 to index
      %swap3A_1057 = tpu.vector_load %arg12[%swap3A] {strides = array<i32>} : memref<2048xi32, #tpu.memory_space<vmem>>, vector<16xi32>,
      %swap3A_1058 = vector.shape_cast %swap3A_1057 : vector<16xi32> to vector<16xi32>
      %swap3A_1059 = vector.shape_cast %add3A_1054 : vector<16xi32> to vector<16xi32>
      tpu.vector_store %arg12[%swap3A], %swap3A_1059 {strides = array<i32>} : memref<2048xi32, #tpu.memory_space<vmem>>, vector<16xi32>,
    }
    %scan3A_38 = arith.constant 128 : i32
    %dma_start3A = arith.constant 0 : i32
    %dma_start3A_39 = tpu.memref_slice %arg4[%dma_start3A] : memref<65536xi32, #tpu.memory_space<hbm>> -> memref<65536xi32, #tpu.memory_space<hbm>>
    tpu.enqueue_indirect_dma source(%dma_start3A_39 : memref<65536xi32, #tpu.memory_space<hbm>>) target(%arg13 : memref<2048xi32, #tpu.memory_space<vmem>>) offsets(%arg12 : memref<2048xi32, #tpu.memory_space<vmem>>) semaphore(%arg19 : memref<!tpu.dma_semaphore, #tpu.memory_space<semaphore_mem>>)
    %dma_wait3A = arith.constant 0 : i32
    %dma_wait3A_40 = tpu.memref_slice %arg4[%dma_wait3A] : memref<65536xi32, #tpu.memory_space<hbm>> -> memref<65536xi32, #tpu.memory_space<hbm>>
    tpu.wait_indirect_dma semaphore(%arg19 : memref<!tpu.dma_semaphore, #tpu.memory_space<semaphore_mem>>) src(%dma_wait3A_40 : memref<65536xi32, #tpu.memory_space<hbm>>) dst(%arg13 : memref<2048xi32, #tpu.memory_space<vmem>>)
    %dma_start3A_41 = arith.constant 0 : i32
    %dma_start3A_42 = arith.constant 0 : i32
    %dma_start3A_43 = arith.constant 0 : i32
    %dma_start3A_44 = tpu.memref_slice %arg14[%dma_start3A_42, %dma_start3A_43] : memref<16x512xf32, #tpu.memory_space<vmem>> -> memref<1x512xf32, #tpu.memory_space<vmem>>
    %dma_start3A_45 = tpu.memref_squeeze %dma_start3A_44 : memref<1x512xf32, #tpu.memory_space<vmem>> -> memref<512xf32, #tpu.memory_space<vmem>>
    %dma_start3A_46 = arith.constant 0 : i32
    %dma_start3A_47 = tpu.memref_slice %arg5[%dma_start3A_41, %dma_start3A_46] : memref<16x1000000xf32, #tpu.memory_space<hbm>> -> memref<1x1000000xf32, #tpu.memory_space<hbm>>
    %dma_start3A_48 = tpu.memref_squeeze %dma_start3A_47 : memref<1x1000000xf32, #tpu.memory_space<hbm>> -> memref<1000000xf32, #tpu.memory_space<hbm>>
    %dma_start3A_49 = arith.constant 0 : i32
    %dma_start3A_50 = tpu.memref_slice %dma_start3A_48[%dma_start3A_49] : memref<1000000xf32, #tpu.memory_space<hbm>> -> memref<1000000xf32, #tpu.memory_space<hbm>>
    tpu.enqueue_indirect_dma source(%dma_start3A_50 : memref<1000000xf32, #tpu.memory_space<hbm>>) target(%dma_start3A_45 : memref<512xf32, #tpu.memory_space<vmem>>) offsets(%arg10 : memref<512xi32, #tpu.memory_space<vmem>>) semaphore(%arg17 : memref<!tpu.dma_semaphore, #tpu.memory_space<semaphore_mem>>)
    %dma_start3A_51 = arith.constant 1 : i32
    %dma_start3A_52 = arith.constant 1 : i32
    %dma_start3A_53 = arith.constant 0 : i32
    %dma_start3A_54 = tpu.memref_slice %arg14[%dma_start3A_52, %dma_start3A_53] : memref<16x512xf32, #tpu.memory_space<vmem>> -> memref<1x512xf32, #tpu.memory_space<vmem>>
    %dma_start3A_55 = tpu.memref_squeeze %dma_start3A_54 : memref<1x512xf32, #tpu.memory_space<vmem>> -> memref<512xf32, #tpu.memory_space<vmem>>
    %dma_start3A_56 = arith.constant 0 : i32
    %dma_start3A_57 = tpu.memref_slice %arg5[%dma_start3A_51, %dma_start3A_56] : memref<16x1000000xf32, #tpu.memory_space<hbm>> -> memref<1x1000000xf32, #tpu.memory_space<hbm>>
    %dma_start3A_58 = tpu.memref_squeeze %dma_start3A_57 : memref<1x1000000xf32, #tpu.memory_space<hbm>> -> memref<1000000xf32, #tpu.memory_space<hbm>>
    %dma_start3A_59 = arith.constant 0 : i32
    %dma_start3A_60 = tpu.memref_slice %dma_start3A_58[%dma_start3A_59] : memref<1000000xf32, #tpu.memory_space<hbm>> -> memref<1000000xf32, #tpu.memory_space<hbm>>
    tpu.enqueue_indirect_dma source(%dma_start3A_60 : memref<1000000xf32, #tpu.memory_space<hbm>>) target(%dma_start3A_55 : memref<512xf32, #tpu.memory_space<vmem>>) offsets(%arg10 : memref<512xi32, #tpu.memory_space<vmem>>) semaphore(%arg17 : memref<!tpu.dma_semaphore, #tpu.memory_space<semaphore_mem>>)
    %dma_start3A_61 = arith.constant 2 : i32
    %dma_start3A_62 = arith.constant 2 : i32
    %dma_start3A_63 = arith.constant 0 : i32
    %dma_start3A_64 = tpu.memref_slice %arg14[%dma_start3A_62, %dma_start3A_63] : memref<16x512xf32, #tpu.memory_space<vmem>> -> memref<1x512xf32, #tpu.memory_space<vmem>>
    %dma_start3A_65 = tpu.memref_squeeze %dma_start3A_64 : memref<1x512xf32, #tpu.memory_space<vmem>> -> memref<512xf32, #tpu.memory_space<vmem>>
    %dma_start3A_66 = arith.constant 0 : i32
    %dma_start3A_67 = tpu.memref_slice %arg5[%dma_start3A_61, %dma_start3A_66] : memref<16x1000000xf32, #tpu.memory_space<hbm>> -> memref<1x1000000xf32, #tpu.memory_space<hbm>>
    %dma_start3A_68 = tpu.memref_squeeze %dma_start3A_67 : memref<1x1000000xf32, #tpu.memory_space<hbm>> -> memref<1000000xf32, #tpu.memory_space<hbm>>
    %dma_start3A_69 = arith.constant 0 : i32
    %dma_start3A_70 = tpu.memref_slice %dma_start3A_68[%dma_start3A_69] : memref<1000000xf32, #tpu.memory_space<hbm>> -> memref<1000000xf32, #tpu.memory_space<hbm>>
    tpu.enqueue_indirect_dma source(%dma_start3A_70 : memref<1000000xf32, #tpu.memory_space<hbm>>) target(%dma_start3A_65 : memref<512xf32, #tpu.memory_space<vmem>>) offsets(%arg10 : memref<512xi32, #tpu.memory_space<vmem>>) semaphore(%arg17 : memref<!tpu.dma_semaphore, #tpu.memory_space<semaphore_mem>>)
    %dma_start3A_71 = arith.constant 3 : i32
    %dma_start3A_72 = arith.constant 3 : i32
    %dma_start3A_73 = arith.constant 0 : i32
    %dma_start3A_74 = tpu.memref_slice %arg14[%dma_start3A_72, %dma_start3A_73] : memref<16x512xf32, #tpu.memory_space<vmem>> -> memref<1x512xf32, #tpu.memory_space<vmem>>
    %dma_start3A_75 = tpu.memref_squeeze %dma_start3A_74 : memref<1x512xf32, #tpu.memory_space<vmem>> -> memref<512xf32, #tpu.memory_space<vmem>>
    %dma_start3A_76 = arith.constant 0 : i32
    %dma_start3A_77 = tpu.memref_slice %arg5[%dma_start3A_71, %dma_start3A_76] : memref<16x1000000xf32, #tpu.memory_space<hbm>> -> memref<1x1000000xf32, #tpu.memory_space<hbm>>
    %dma_start3A_78 = tpu.memref_squeeze %dma_start3A_77 : memref<1x1000000xf32, #tpu.memory_space<hbm>> -> memref<1000000xf32, #tpu.memory_space<hbm>>
    %dma_start3A_79 = arith.constant 0 : i32
    %dma_start3A_80 = tpu.memref_slice %dma_start3A_78[%dma_start3A_79] : memref<1000000xf32, #tpu.memory_space<hbm>> -> memref<1000000xf32, #tpu.memory_space<hbm>>
    tpu.enqueue_indirect_dma source(%dma_start3A_80 : memref<1000000xf32, #tpu.memory_space<hbm>>) target(%dma_start3A_75 : memref<512xf32, #tpu.memory_space<vmem>>) offsets(%arg10 : memref<512xi32, #tpu.memory_space<vmem>>) semaphore(%arg17 : memref<!tpu.dma_semaphore, #tpu.memory_space<semaphore_mem>>)
    %dma_start3A_81 = arith.constant 4 : i32
    %dma_start3A_82 = arith.constant 4 : i32
    %dma_start3A_83 = arith.constant 0 : i32
    %dma_start3A_84 = tpu.memref_slice %arg14[%dma_start3A_82, %dma_start3A_83] : memref<16x512xf32, #tpu.memory_space<vmem>> -> memref<1x512xf32, #tpu.memory_space<vmem>>
    %dma_start3A_85 = tpu.memref_squeeze %dma_start3A_84 : memref<1x512xf32, #tpu.memory_space<vmem>> -> memref<512xf32, #tpu.memory_space<vmem>>
    %dma_start3A_86 = arith.constant 0 : i32
    %dma_start3A_87 = tpu.memref_slice %arg5[%dma_start3A_81, %dma_start3A_86] : memref<16x1000000xf32, #tpu.memory_space<hbm>> -> memref<1x1000000xf32, #tpu.memory_space<hbm>>
    %dma_start3A_88 = tpu.memref_squeeze %dma_start3A_87 : memref<1x1000000xf32, #tpu.memory_space<hbm>> -> memref<1000000xf32, #tpu.memory_space<hbm>>
    %dma_start3A_89 = arith.constant 0 : i32
    %dma_start3A_90 = tpu.memref_slice %dma_start3A_88[%dma_start3A_89] : memref<1000000xf32, #tpu.memory_space<hbm>> -> memref<1000000xf32, #tpu.memory_space<hbm>>
    tpu.enqueue_indirect_dma source(%dma_start3A_90 : memref<1000000xf32, #tpu.memory_space<hbm>>) target(%dma_start3A_85 : memref<512xf32, #tpu.memory_space<vmem>>) offsets(%arg10 : memref<512xi32, #tpu.memory_space<vmem>>) semaphore(%arg17 : memref<!tpu.dma_semaphore, #tpu.memory_space<semaphore_mem>>)
    %dma_start3A_91 = arith.constant 5 : i32
    %dma_start3A_92 = arith.constant 5 : i32
    %dma_start3A_93 = arith.constant 0 : i32
    %dma_start3A_94 = tpu.memref_slice %arg14[%dma_start3A_92, %dma_start3A_93] : memref<16x512xf32, #tpu.memory_space<vmem>> -> memref<1x512xf32, #tpu.memory_space<vmem>>
    %dma_start3A_95 = tpu.memref_squeeze %dma_start3A_94 : memref<1x512xf32, #tpu.memory_space<vmem>> -> memref<512xf32, #tpu.memory_space<vmem>>
    %dma_start3A_96 = arith.constant 0 : i32
    %dma_start3A_97 = tpu.memref_slice %arg5[%dma_start3A_91, %dma_start3A_96] : memref<16x1000000xf32, #tpu.memory_space<hbm>> -> memref<1x1000000xf32, #tpu.memory_space<hbm>>
    %dma_start3A_98 = tpu.memref_squeeze %dma_start3A_97 : memref<1x1000000xf32, #tpu.memory_space<hbm>> -> memref<1000000xf32, #tpu.memory_space<hbm>>
    %dma_start3A_99 = arith.constant 0 : i32
    %dma_start3A_100 = tpu.memref_slice %dma_start3A_98[%dma_start3A_99] : memref<1000000xf32, #tpu.memory_space<hbm>> -> memref<1000000xf32, #tpu.memory_space<hbm>>
    tpu.enqueue_indirect_dma source(%dma_start3A_100 : memref<1000000xf32, #tpu.memory_space<hbm>>) target(%dma_start3A_95 : memref<512xf32, #tpu.memory_space<vmem>>) offsets(%arg10 : memref<512xi32, #tpu.memory_space<vmem>>) semaphore(%arg17 : memref<!tpu.dma_semaphore, #tpu.memory_space<semaphore_mem>>)
    %dma_start3A_101 = arith.constant 6 : i32
    %dma_start3A_102 = arith.constant 6 : i32
    %dma_start3A_103 = arith.constant 0 : i32
    %dma_start3A_104 = tpu.memref_slice %arg14[%dma_start3A_102, %dma_start3A_103] : memref<16x512xf32, #tpu.memory_space<vmem>> -> memref<1x512xf32, #tpu.memory_space<vmem>>
    %dma_start3A_105 = tpu.memref_squeeze %dma_start3A_104 : memref<1x512xf32, #tpu.memory_space<vmem>> -> memref<512xf32, #tpu.memory_space<vmem>>
    %dma_start3A_106 = arith.constant 0 : i32
    %dma_start3A_107 = tpu.memref_slice %arg5[%dma_start3A_101, %dma_start3A_106] : memref<16x1000000xf32, #tpu.memory_space<hbm>> -> memref<1x1000000xf32, #tpu.memory_space<hbm>>
    %dma_start3A_108 = tpu.memref_squeeze %dma_start3A_107 : memref<1x1000000xf32, #tpu.memory_space<hbm>> -> memref<1000000xf32, #tpu.memory_space<hbm>>
    %dma_start3A_109 = arith.constant 0 : i32
    %dma_start3A_110 = tpu.memref_slice %dma_start3A_108[%dma_start3A_109] : memref<1000000xf32, #tpu.memory_space<hbm>> -> memref<1000000xf32, #tpu.memory_space<hbm>>
    tpu.enqueue_indirect_dma source(%dma_start3A_110 : memref<1000000xf32, #tpu.memory_space<hbm>>) target(%dma_start3A_105 : memref<512xf32, #tpu.memory_space<vmem>>) offsets(%arg10 : memref<512xi32, #tpu.memory_space<vmem>>) semaphore(%arg17 : memref<!tpu.dma_semaphore, #tpu.memory_space<semaphore_mem>>)
    %dma_start3A_111 = arith.constant 7 : i32
    %dma_start3A_112 = arith.constant 7 : i32
    %dma_start3A_113 = arith.constant 0 : i32
    %dma_start3A_114 = tpu.memref_slice %arg14[%dma_start3A_112, %dma_start3A_113] : memref<16x512xf32, #tpu.memory_space<vmem>> -> memref<1x512xf32, #tpu.memory_space<vmem>>
    %dma_start3A_115 = tpu.memref_squeeze %dma_start3A_114 : memref<1x512xf32, #tpu.memory_space<vmem>> -> memref<512xf32, #tpu.memory_space<vmem>>
    %dma_start3A_116 = arith.constant 0 : i32
    %dma_start3A_117 = tpu.memref_slice %arg5[%dma_start3A_111, %dma_start3A_116] : memref<16x1000000xf32, #tpu.memory_space<hbm>> -> memref<1x1000000xf32, #tpu.memory_space<hbm>>
    %dma_start3A_118 = tpu.memref_squeeze %dma_start3A_117 : memref<1x1000000xf32, #tpu.memory_space<hbm>> -> memref<1000000xf32, #tpu.memory_space<hbm>>
    %dma_start3A_119 = arith.constant 0 : i32
    %dma_start3A_120 = tpu.memref_slice %dma_start3A_118[%dma_start3A_119] : memref<1000000xf32, #tpu.memory_space<hbm>> -> memref<1000000xf32, #tpu.memory_space<hbm>>
    tpu.enqueue_indirect_dma source(%dma_start3A_120 : memref<1000000xf32, #tpu.memory_space<hbm>>) target(%dma_start3A_115 : memref<512xf32, #tpu.memory_space<vmem>>) offsets(%arg10 : memref<512xi32, #tpu.memory_space<vmem>>) semaphore(%arg17 : memref<!tpu.dma_semaphore, #tpu.memory_space<semaphore_mem>>)
    %dma_start3A_121 = arith.constant 8 : i32
    %dma_start3A_122 = arith.constant 8 : i32
    %dma_start3A_123 = arith.constant 0 : i32
    %dma_start3A_124 = tpu.memref_slice %arg14[%dma_start3A_122, %dma_start3A_123] : memref<16x512xf32, #tpu.memory_space<vmem>> -> memref<1x512xf32, #tpu.memory_space<vmem>>
    %dma_start3A_125 = tpu.memref_squeeze %dma_start3A_124 : memref<1x512xf32, #tpu.memory_space<vmem>> -> memref<512xf32, #tpu.memory_space<vmem>>
    %dma_start3A_126 = arith.constant 0 : i32
    %dma_start3A_127 = tpu.memref_slice %arg5[%dma_start3A_121, %dma_start3A_126] : memref<16x1000000xf32, #tpu.memory_space<hbm>> -> memref<1x1000000xf32, #tpu.memory_space<hbm>>
    %dma_start3A_128 = tpu.memref_squeeze %dma_start3A_127 : memref<1x1000000xf32, #tpu.memory_space<hbm>> -> memref<1000000xf32, #tpu.memory_space<hbm>>
    %dma_start3A_129 = arith.constant 0 : i32
    %dma_start3A_130 = tpu.memref_slice %dma_start3A_128[%dma_start3A_129] : memref<1000000xf32, #tpu.memory_space<hbm>> -> memref<1000000xf32, #tpu.memory_space<hbm>>
    tpu.enqueue_indirect_dma source(%dma_start3A_130 : memref<1000000xf32, #tpu.memory_space<hbm>>) target(%dma_start3A_125 : memref<512xf32, #tpu.memory_space<vmem>>) offsets(%arg10 : memref<512xi32, #tpu.memory_space<vmem>>) semaphore(%arg17 : memref<!tpu.dma_semaphore, #tpu.memory_space<semaphore_mem>>)
    %dma_start3A_131 = arith.constant 9 : i32
    %dma_start3A_132 = arith.constant 9 : i32
    %dma_start3A_133 = arith.constant 0 : i32
    %dma_start3A_134 = tpu.memref_slice %arg14[%dma_start3A_132, %dma_start3A_133] : memref<16x512xf32, #tpu.memory_space<vmem>> -> memref<1x512xf32, #tpu.memory_space<vmem>>
    %dma_start3A_135 = tpu.memref_squeeze %dma_start3A_134 : memref<1x512xf32, #tpu.memory_space<vmem>> -> memref<512xf32, #tpu.memory_space<vmem>>
    %dma_start3A_136 = arith.constant 0 : i32
    %dma_start3A_137 = tpu.memref_slice %arg5[%dma_start3A_131, %dma_start3A_136] : memref<16x1000000xf32, #tpu.memory_space<hbm>> -> memref<1x1000000xf32, #tpu.memory_space<hbm>>
    %dma_start3A_138 = tpu.memref_squeeze %dma_start3A_137 : memref<1x1000000xf32, #tpu.memory_space<hbm>> -> memref<1000000xf32, #tpu.memory_space<hbm>>
    %dma_start3A_139 = arith.constant 0 : i32
    %dma_start3A_140 = tpu.memref_slice %dma_start3A_138[%dma_start3A_139] : memref<1000000xf32, #tpu.memory_space<hbm>> -> memref<1000000xf32, #tpu.memory_space<hbm>>
    tpu.enqueue_indirect_dma source(%dma_start3A_140 : memref<1000000xf32, #tpu.memory_space<hbm>>) target(%dma_start3A_135 : memref<512xf32, #tpu.memory_space<vmem>>) offsets(%arg10 : memref<512xi32, #tpu.memory_space<vmem>>) semaphore(%arg17 : memref<!tpu.dma_semaphore, #tpu.memory_space<semaphore_mem>>)
    %dma_start3A_141 = arith.constant 10 : i32
    %dma_start3A_142 = arith.constant 10 : i32
    %dma_start3A_143 = arith.constant 0 : i32
    %dma_start3A_144 = tpu.memref_slice %arg14[%dma_start3A_142, %dma_start3A_143] : memref<16x512xf32, #tpu.memory_space<vmem>> -> memref<1x512xf32, #tpu.memory_space<vmem>>
    %dma_start3A_145 = tpu.memref_squeeze %dma_start3A_144 : memref<1x512xf32, #tpu.memory_space<vmem>> -> memref<512xf32, #tpu.memory_space<vmem>>
    %dma_start3A_146 = arith.constant 0 : i32
    %dma_start3A_147 = tpu.memref_slice %arg5[%dma_start3A_141, %dma_start3A_146] : memref<16x1000000xf32, #tpu.memory_space<hbm>> -> memref<1x1000000xf32, #tpu.memory_space<hbm>>
    %dma_start3A_148 = tpu.memref_squeeze %dma_start3A_147 : memref<1x1000000xf32, #tpu.memory_space<hbm>> -> memref<1000000xf32, #tpu.memory_space<hbm>>
    %dma_start3A_149 = arith.constant 0 : i32
    %dma_start3A_150 = tpu.memref_slice %dma_start3A_148[%dma_start3A_149] : memref<1000000xf32, #tpu.memory_space<hbm>> -> memref<1000000xf32, #tpu.memory_space<hbm>>
    tpu.enqueue_indirect_dma source(%dma_start3A_150 : memref<1000000xf32, #tpu.memory_space<hbm>>) target(%dma_start3A_145 : memref<512xf32, #tpu.memory_space<vmem>>) offsets(%arg10 : memref<512xi32, #tpu.memory_space<vmem>>) semaphore(%arg17 : memref<!tpu.dma_semaphore, #tpu.memory_space<semaphore_mem>>)
    %dma_start3A_151 = arith.constant 11 : i32
    %dma_start3A_152 = arith.constant 11 : i32
    %dma_start3A_153 = arith.constant 0 : i32
    %dma_start3A_154 = tpu.memref_slice %arg14[%dma_start3A_152, %dma_start3A_153] : memref<16x512xf32, #tpu.memory_space<vmem>> -> memref<1x512xf32, #tpu.memory_space<vmem>>
    %dma_start3A_155 = tpu.memref_squeeze %dma_start3A_154 : memref<1x512xf32, #tpu.memory_space<vmem>> -> memref<512xf32, #tpu.memory_space<vmem>>
    %dma_start3A_156 = arith.constant 0 : i32
    %dma_start3A_157 = tpu.memref_slice %arg5[%dma_start3A_151, %dma_start3A_156] : memref<16x1000000xf32, #tpu.memory_space<hbm>> -> memref<1x1000000xf32, #tpu.memory_space<hbm>>
    %dma_start3A_158 = tpu.memref_squeeze %dma_start3A_157 : memref<1x1000000xf32, #tpu.memory_space<hbm>> -> memref<1000000xf32, #tpu.memory_space<hbm>>
    %dma_start3A_159 = arith.constant 0 : i32
    %dma_start3A_160 = tpu.memref_slice %dma_start3A_158[%dma_start3A_159] : memref<1000000xf32, #tpu.memory_space<hbm>> -> memref<1000000xf32, #tpu.memory_space<hbm>>
    tpu.enqueue_indirect_dma source(%dma_start3A_160 : memref<1000000xf32, #tpu.memory_space<hbm>>) target(%dma_start3A_155 : memref<512xf32, #tpu.memory_space<vmem>>) offsets(%arg10 : memref<512xi32, #tpu.memory_space<vmem>>) semaphore(%arg17 : memref<!tpu.dma_semaphore, #tpu.memory_space<semaphore_mem>>)
    %dma_start3A_161 = arith.constant 12 : i32
    %dma_start3A_162 = arith.constant 12 : i32
    %dma_start3A_163 = arith.constant 0 : i32
    %dma_start3A_164 = tpu.memref_slice %arg14[%dma_start3A_162, %dma_start3A_163] : memref<16x512xf32, #tpu.memory_space<vmem>> -> memref<1x512xf32, #tpu.memory_space<vmem>>
    %dma_start3A_165 = tpu.memref_squeeze %dma_start3A_164 : memref<1x512xf32, #tpu.memory_space<vmem>> -> memref<512xf32, #tpu.memory_space<vmem>>
    %dma_start3A_166 = arith.constant 0 : i32
    %dma_start3A_167 = tpu.memref_slice %arg5[%dma_start3A_161, %dma_start3A_166] : memref<16x1000000xf32, #tpu.memory_space<hbm>> -> memref<1x1000000xf32, #tpu.memory_space<hbm>>
    %dma_start3A_168 = tpu.memref_squeeze %dma_start3A_167 : memref<1x1000000xf32, #tpu.memory_space<hbm>> -> memref<1000000xf32, #tpu.memory_space<hbm>>
    %dma_start3A_169 = arith.constant 0 : i32
    %dma_start3A_170 = tpu.memref_slice %dma_start3A_168[%dma_start3A_169] : memref<1000000xf32, #tpu.memory_space<hbm>> -> memref<1000000xf32, #tpu.memory_space<hbm>>
    tpu.enqueue_indirect_dma source(%dma_start3A_170 : memref<1000000xf32, #tpu.memory_space<hbm>>) target(%dma_start3A_165 : memref<512xf32, #tpu.memory_space<vmem>>) offsets(%arg10 : memref<512xi32, #tpu.memory_space<vmem>>) semaphore(%arg17 : memref<!tpu.dma_semaphore, #tpu.memory_space<semaphore_mem>>)
    %dma_start3A_171 = arith.constant 13 : i32
    %dma_start3A_172 = arith.constant 13 : i32
    %dma_start3A_173 = arith.constant 0 : i32
    %dma_start3A_174 = tpu.memref_slice %arg14[%dma_start3A_172, %dma_start3A_173] : memref<16x512xf32, #tpu.memory_space<vmem>> -> memref<1x512xf32, #tpu.memory_space<vmem>>
    %dma_start3A_175 = tpu.memref_squeeze %dma_start3A_174 : memref<1x512xf32, #tpu.memory_space<vmem>> -> memref<512xf32, #tpu.memory_space<vmem>>
    %dma_start3A_176 = arith.constant 0 : i32
    %dma_start3A_177 = tpu.memref_slice %arg5[%dma_start3A_171, %dma_start3A_176] : memref<16x1000000xf32, #tpu.memory_space<hbm>> -> memref<1x1000000xf32, #tpu.memory_space<hbm>>
    %dma_start3A_178 = tpu.memref_squeeze %dma_start3A_177 : memref<1x1000000xf32, #tpu.memory_space<hbm>> -> memref<1000000xf32, #tpu.memory_space<hbm>>
    %dma_start3A_179 = arith.constant 0 : i32
    %dma_start3A_180 = tpu.memref_slice %dma_start3A_178[%dma_start3A_179] : memref<1000000xf32, #tpu.memory_space<hbm>> -> memref<1000000xf32, #tpu.memory_space<hbm>>
    tpu.enqueue_indirect_dma source(%dma_start3A_180 : memref<1000000xf32, #tpu.memory_space<hbm>>) target(%dma_start3A_175 : memref<512xf32, #tpu.memory_space<vmem>>) offsets(%arg10 : memref<512xi32, #tpu.memory_space<vmem>>) semaphore(%arg17 : memref<!tpu.dma_semaphore, #tpu.memory_space<semaphore_mem>>)
    %dma_start3A_181 = arith.constant 14 : i32
    %dma_start3A_182 = arith.constant 14 : i32
    %dma_start3A_183 = arith.constant 0 : i32
    %dma_start3A_184 = tpu.memref_slice %arg14[%dma_start3A_182, %dma_start3A_183] : memref<16x512xf32, #tpu.memory_space<vmem>> -> memref<1x512xf32, #tpu.memory_space<vmem>>
    %dma_start3A_185 = tpu.memref_squeeze %dma_start3A_184 : memref<1x512xf32, #tpu.memory_space<vmem>> -> memref<512xf32, #tpu.memory_space<vmem>>
    %dma_start3A_186 = arith.constant 0 : i32
    %dma_start3A_187 = tpu.memref_slice %arg5[%dma_start3A_181, %dma_start3A_186] : memref<16x1000000xf32, #tpu.memory_space<hbm>> -> memref<1x1000000xf32, #tpu.memory_space<hbm>>
    %dma_start3A_188 = tpu.memref_squeeze %dma_start3A_187 : memref<1x1000000xf32, #tpu.memory_space<hbm>> -> memref<1000000xf32, #tpu.memory_space<hbm>>
    %dma_start3A_189 = arith.constant 0 : i32
    %dma_start3A_190 = tpu.memref_slice %dma_start3A_188[%dma_start3A_189] : memref<1000000xf32, #tpu.memory_space<hbm>> -> memref<1000000xf32, #tpu.memory_space<hbm>>
    tpu.enqueue_indirect_dma source(%dma_start3A_190 : memref<1000000xf32, #tpu.memory_space<hbm>>) target(%dma_start3A_185 : memref<512xf32, #tpu.memory_space<vmem>>) offsets(%arg10 : memref<512xi32, #tpu.memory_space<vmem>>) semaphore(%arg17 : memref<!tpu.dma_semaphore, #tpu.memory_space<semaphore_mem>>)
    %dma_start3A_191 = arith.constant 15 : i32
    %dma_start3A_192 = arith.constant 15 : i32
    %dma_start3A_193 = arith.constant 0 : i32
    %dma_start3A_194 = tpu.memref_slice %arg14[%dma_start3A_192, %dma_start3A_193] : memref<16x512xf32, #tpu.memory_space<vmem>> -> memref<1x512xf32, #tpu.memory_space<vmem>>
    %dma_start3A_195 = tpu.memref_squeeze %dma_start3A_194 : memref<1x512xf32, #tpu.memory_space<vmem>> -> memref<512xf32, #tpu.memory_space<vmem>>
    %dma_start3A_196 = arith.constant 0 : i32
    %dma_start3A_197 = tpu.memref_slice %arg5[%dma_start3A_191, %dma_start3A_196] : memref<16x1000000xf32, #tpu.memory_space<hbm>> -> memref<1x1000000xf32, #tpu.memory_space<hbm>>
    %dma_start3A_198 = tpu.memref_squeeze %dma_start3A_197 : memref<1x1000000xf32, #tpu.memory_space<hbm>> -> memref<1000000xf32, #tpu.memory_space<hbm>>
    %dma_start3A_199 = arith.constant 0 : i32
    %dma_start3A_200 = tpu.memref_slice %dma_start3A_198[%dma_start3A_199] : memref<1000000xf32, #tpu.memory_space<hbm>> -> memref<1000000xf32, #tpu.memory_space<hbm>>
    tpu.enqueue_indirect_dma source(%dma_start3A_200 : memref<1000000xf32, #tpu.memory_space<hbm>>) target(%dma_start3A_195 : memref<512xf32, #tpu.memory_space<vmem>>) offsets(%arg10 : memref<512xi32, #tpu.memory_space<vmem>>) semaphore(%arg17 : memref<!tpu.dma_semaphore, #tpu.memory_space<semaphore_mem>>)
    %dma_wait3A_201 = arith.constant 0 : i32
    %dma_wait3A_202 = arith.constant 0 : i32
    %dma_wait3A_203 = arith.constant 0 : i32
    %dma_wait3A_204 = tpu.memref_slice %arg14[%dma_wait3A_202, %dma_wait3A_203] : memref<16x512xf32, #tpu.memory_space<vmem>> -> memref<1x512xf32, #tpu.memory_space<vmem>>
    %dma_wait3A_205 = tpu.memref_squeeze %dma_wait3A_204 : memref<1x512xf32, #tpu.memory_space<vmem>> -> memref<512xf32, #tpu.memory_space<vmem>>
    %dma_wait3A_206 = arith.constant 0 : i32
    %dma_wait3A_207 = tpu.memref_slice %arg5[%dma_wait3A_201, %dma_wait3A_206] : memref<16x1000000xf32, #tpu.memory_space<hbm>> -> memref<1x1000000xf32, #tpu.memory_space<hbm>>
    %dma_wait3A_208 = tpu.memref_squeeze %dma_wait3A_207 : memref<1x1000000xf32, #tpu.memory_space<hbm>> -> memref<1000000xf32, #tpu.memory_space<hbm>>
    %dma_wait3A_209 = arith.constant 0 : i32
    %dma_wait3A_210 = tpu.memref_slice %dma_wait3A_208[%dma_wait3A_209] : memref<1000000xf32, #tpu.memory_space<hbm>> -> memref<1000000xf32, #tpu.memory_space<hbm>>
    tpu.wait_indirect_dma semaphore(%arg17 : memref<!tpu.dma_semaphore, #tpu.memory_space<semaphore_mem>>) src(%dma_wait3A_210 : memref<1000000xf32, #tpu.memory_space<hbm>>) dst(%dma_wait3A_205 : memref<512xf32, #tpu.memory_space<vmem>>)
    %dma_wait3A_211 = arith.constant 1 : i32
    %dma_wait3A_212 = arith.constant 1 : i32
    %dma_wait3A_213 = arith.constant 0 : i32
    %dma_wait3A_214 = tpu.memref_slice %arg14[%dma_wait3A_212, %dma_wait3A_213] : memref<16x512xf32, #tpu.memory_space<vmem>> -> memref<1x512xf32, #tpu.memory_space<vmem>>
    %dma_wait3A_215 = tpu.memref_squeeze %dma_wait3A_214 : memref<1x512xf32, #tpu.memory_space<vmem>> -> memref<512xf32, #tpu.memory_space<vmem>>
    %dma_wait3A_216 = arith.constant 0 : i32
    %dma_wait3A_217 = tpu.memref_slice %arg5[%dma_wait3A_211, %dma_wait3A_216] : memref<16x1000000xf32, #tpu.memory_space<hbm>> -> memref<1x1000000xf32, #tpu.memory_space<hbm>>
    %dma_wait3A_218 = tpu.memref_squeeze %dma_wait3A_217 : memref<1x1000000xf32, #tpu.memory_space<hbm>> -> memref<1000000xf32, #tpu.memory_space<hbm>>
    %dma_wait3A_219 = arith.constant 0 : i32
    %dma_wait3A_220 = tpu.memref_slice %dma_wait3A_218[%dma_wait3A_219] : memref<1000000xf32, #tpu.memory_space<hbm>> -> memref<1000000xf32, #tpu.memory_space<hbm>>
    tpu.wait_indirect_dma semaphore(%arg17 : memref<!tpu.dma_semaphore, #tpu.memory_space<semaphore_mem>>) src(%dma_wait3A_220 : memref<1000000xf32, #tpu.memory_space<hbm>>) dst(%dma_wait3A_215 : memref<512xf32, #tpu.memory_space<vmem>>)
    %dma_wait3A_221 = arith.constant 2 : i32
    %dma_wait3A_222 = arith.constant 2 : i32
    %dma_wait3A_223 = arith.constant 0 : i32
    %dma_wait3A_224 = tpu.memref_slice %arg14[%dma_wait3A_222, %dma_wait3A_223] : memref<16x512xf32, #tpu.memory_space<vmem>> -> memref<1x512xf32, #tpu.memory_space<vmem>>
    %dma_wait3A_225 = tpu.memref_squeeze %dma_wait3A_224 : memref<1x512xf32, #tpu.memory_space<vmem>> -> memref<512xf32, #tpu.memory_space<vmem>>
    %dma_wait3A_226 = arith.constant 0 : i32
    %dma_wait3A_227 = tpu.memref_slice %arg5[%dma_wait3A_221, %dma_wait3A_226] : memref<16x1000000xf32, #tpu.memory_space<hbm>> -> memref<1x1000000xf32, #tpu.memory_space<hbm>>
    %dma_wait3A_228 = tpu.memref_squeeze %dma_wait3A_227 : memref<1x1000000xf32, #tpu.memory_space<hbm>> -> memref<1000000xf32, #tpu.memory_space<hbm>>
    %dma_wait3A_229 = arith.constant 0 : i32
    %dma_wait3A_230 = tpu.memref_slice %dma_wait3A_228[%dma_wait3A_229] : memref<1000000xf32, #tpu.memory_space<hbm>> -> memref<1000000xf32, #tpu.memory_space<hbm>>
    tpu.wait_indirect_dma semaphore(%arg17 : memref<!tpu.dma_semaphore, #tpu.memory_space<semaphore_mem>>) src(%dma_wait3A_230 : memref<1000000xf32, #tpu.memory_space<hbm>>) dst(%dma_wait3A_225 : memref<512xf32, #tpu.memory_space<vmem>>)
    %dma_wait3A_231 = arith.constant 3 : i32
    %dma_wait3A_232 = arith.constant 3 : i32
    %dma_wait3A_233 = arith.constant 0 : i32
    %dma_wait3A_234 = tpu.memref_slice %arg14[%dma_wait3A_232, %dma_wait3A_233] : memref<16x512xf32, #tpu.memory_space<vmem>> -> memref<1x512xf32, #tpu.memory_space<vmem>>
    %dma_wait3A_235 = tpu.memref_squeeze %dma_wait3A_234 : memref<1x512xf32, #tpu.memory_space<vmem>> -> memref<512xf32, #tpu.memory_space<vmem>>
    %dma_wait3A_236 = arith.constant 0 : i32
    %dma_wait3A_237 = tpu.memref_slice %arg5[%dma_wait3A_231, %dma_wait3A_236] : memref<16x1000000xf32, #tpu.memory_space<hbm>> -> memref<1x1000000xf32, #tpu.memory_space<hbm>>
    %dma_wait3A_238 = tpu.memref_squeeze %dma_wait3A_237 : memref<1x1000000xf32, #tpu.memory_space<hbm>> -> memref<1000000xf32, #tpu.memory_space<hbm>>
    %dma_wait3A_239 = arith.constant 0 : i32
    %dma_wait3A_240 = tpu.memref_slice %dma_wait3A_238[%dma_wait3A_239] : memref<1000000xf32, #tpu.memory_space<hbm>> -> memref<1000000xf32, #tpu.memory_space<hbm>>
    tpu.wait_indirect_dma semaphore(%arg17 : memref<!tpu.dma_semaphore, #tpu.memory_space<semaphore_mem>>) src(%dma_wait3A_240 : memref<1000000xf32, #tpu.memory_space<hbm>>) dst(%dma_wait3A_235 : memref<512xf32, #tpu.memory_space<vmem>>)
    %dma_wait3A_241 = arith.constant 4 : i32
    %dma_wait3A_242 = arith.constant 4 : i32
    %dma_wait3A_243 = arith.constant 0 : i32
    %dma_wait3A_244 = tpu.memref_slice %arg14[%dma_wait3A_242, %dma_wait3A_243] : memref<16x512xf32, #tpu.memory_space<vmem>> -> memref<1x512xf32, #tpu.memory_space<vmem>>
    %dma_wait3A_245 = tpu.memref_squeeze %dma_wait3A_244 : memref<1x512xf32, #tpu.memory_space<vmem>> -> memref<512xf32, #tpu.memory_space<vmem>>
    %dma_wait3A_246 = arith.constant 0 : i32
    %dma_wait3A_247 = tpu.memref_slice %arg5[%dma_wait3A_241, %dma_wait3A_246] : memref<16x1000000xf32, #tpu.memory_space<hbm>> -> memref<1x1000000xf32, #tpu.memory_space<hbm>>
    %dma_wait3A_248 = tpu.memref_squeeze %dma_wait3A_247 : memref<1x1000000xf32, #tpu.memory_space<hbm>> -> memref<1000000xf32, #tpu.memory_space<hbm>>
    %dma_wait3A_249 = arith.constant 0 : i32
    %dma_wait3A_250 = tpu.memref_slice %dma_wait3A_248[%dma_wait3A_249] : memref<1000000xf32, #tpu.memory_space<hbm>> -> memref<1000000xf32, #tpu.memory_space<hbm>>
    tpu.wait_indirect_dma semaphore(%arg17 : memref<!tpu.dma_semaphore, #tpu.memory_space<semaphore_mem>>) src(%dma_wait3A_250 : memref<1000000xf32, #tpu.memory_space<hbm>>) dst(%dma_wait3A_245 : memref<512xf32, #tpu.memory_space<vmem>>)
    %dma_wait3A_251 = arith.constant 5 : i32
    %dma_wait3A_252 = arith.constant 5 : i32
    %dma_wait3A_253 = arith.constant 0 : i32
    %dma_wait3A_254 = tpu.memref_slice %arg14[%dma_wait3A_252, %dma_wait3A_253] : memref<16x512xf32, #tpu.memory_space<vmem>> -> memref<1x512xf32, #tpu.memory_space<vmem>>
    %dma_wait3A_255 = tpu.memref_squeeze %dma_wait3A_254 : memref<1x512xf32, #tpu.memory_space<vmem>> -> memref<512xf32, #tpu.memory_space<vmem>>
    %dma_wait3A_256 = arith.constant 0 : i32
    %dma_wait3A_257 = tpu.memref_slice %arg5[%dma_wait3A_251, %dma_wait3A_256] : memref<16x1000000xf32, #tpu.memory_space<hbm>> -> memref<1x1000000xf32, #tpu.memory_space<hbm>>
    %dma_wait3A_258 = tpu.memref_squeeze %dma_wait3A_257 : memref<1x1000000xf32, #tpu.memory_space<hbm>> -> memref<1000000xf32, #tpu.memory_space<hbm>>
    %dma_wait3A_259 = arith.constant 0 : i32
    %dma_wait3A_260 = tpu.memref_slice %dma_wait3A_258[%dma_wait3A_259] : memref<1000000xf32, #tpu.memory_space<hbm>> -> memref<1000000xf32, #tpu.memory_space<hbm>>
    tpu.wait_indirect_dma semaphore(%arg17 : memref<!tpu.dma_semaphore, #tpu.memory_space<semaphore_mem>>) src(%dma_wait3A_260 : memref<1000000xf32, #tpu.memory_space<hbm>>) dst(%dma_wait3A_255 : memref<512xf32, #tpu.memory_space<vmem>>)
    %dma_wait3A_261 = arith.constant 6 : i32
    %dma_wait3A_262 = arith.constant 6 : i32
    %dma_wait3A_263 = arith.constant 0 : i32
    %dma_wait3A_264 = tpu.memref_slice %arg14[%dma_wait3A_262, %dma_wait3A_263] : memref<16x512xf32, #tpu.memory_space<vmem>> -> memref<1x512xf32, #tpu.memory_space<vmem>>
    %dma_wait3A_265 = tpu.memref_squeeze %dma_wait3A_264 : memref<1x512xf32, #tpu.memory_space<vmem>> -> memref<512xf32, #tpu.memory_space<vmem>>
    %dma_wait3A_266 = arith.constant 0 : i32
    %dma_wait3A_267 = tpu.memref_slice %arg5[%dma_wait3A_261, %dma_wait3A_266] : memref<16x1000000xf32, #tpu.memory_space<hbm>> -> memref<1x1000000xf32, #tpu.memory_space<hbm>>
    %dma_wait3A_268 = tpu.memref_squeeze %dma_wait3A_267 : memref<1x1000000xf32, #tpu.memory_space<hbm>> -> memref<1000000xf32, #tpu.memory_space<hbm>>
    %dma_wait3A_269 = arith.constant 0 : i32
    %dma_wait3A_270 = tpu.memref_slice %dma_wait3A_268[%dma_wait3A_269] : memref<1000000xf32, #tpu.memory_space<hbm>> -> memref<1000000xf32, #tpu.memory_space<hbm>>
    tpu.wait_indirect_dma semaphore(%arg17 : memref<!tpu.dma_semaphore, #tpu.memory_space<semaphore_mem>>) src(%dma_wait3A_270 : memref<1000000xf32, #tpu.memory_space<hbm>>) dst(%dma_wait3A_265 : memref<512xf32, #tpu.memory_space<vmem>>)
    %dma_wait3A_271 = arith.constant 7 : i32
    %dma_wait3A_272 = arith.constant 7 : i32
    %dma_wait3A_273 = arith.constant 0 : i32
    %dma_wait3A_274 = tpu.memref_slice %arg14[%dma_wait3A_272, %dma_wait3A_273] : memref<16x512xf32, #tpu.memory_space<vmem>> -> memref<1x512xf32, #tpu.memory_space<vmem>>
    %dma_wait3A_275 = tpu.memref_squeeze %dma_wait3A_274 : memref<1x512xf32, #tpu.memory_space<vmem>> -> memref<512xf32, #tpu.memory_space<vmem>>
    %dma_wait3A_276 = arith.constant 0 : i32
    %dma_wait3A_277 = tpu.memref_slice %arg5[%dma_wait3A_271, %dma_wait3A_276] : memref<16x1000000xf32, #tpu.memory_space<hbm>> -> memref<1x1000000xf32, #tpu.memory_space<hbm>>
    %dma_wait3A_278 = tpu.memref_squeeze %dma_wait3A_277 : memref<1x1000000xf32, #tpu.memory_space<hbm>> -> memref<1000000xf32, #tpu.memory_space<hbm>>
    %dma_wait3A_279 = arith.constant 0 : i32
    %dma_wait3A_280 = tpu.memref_slice %dma_wait3A_278[%dma_wait3A_279] : memref<1000000xf32, #tpu.memory_space<hbm>> -> memref<1000000xf32, #tpu.memory_space<hbm>>
    tpu.wait_indirect_dma semaphore(%arg17 : memref<!tpu.dma_semaphore, #tpu.memory_space<semaphore_mem>>) src(%dma_wait3A_280 : memref<1000000xf32, #tpu.memory_space<hbm>>) dst(%dma_wait3A_275 : memref<512xf32, #tpu.memory_space<vmem>>)
    %dma_wait3A_281 = arith.constant 8 : i32
    %dma_wait3A_282 = arith.constant 8 : i32
    %dma_wait3A_283 = arith.constant 0 : i32
    %dma_wait3A_284 = tpu.memref_slice %arg14[%dma_wait3A_282, %dma_wait3A_283] : memref<16x512xf32, #tpu.memory_space<vmem>> -> memref<1x512xf32, #tpu.memory_space<vmem>>
    %dma_wait3A_285 = tpu.memref_squeeze %dma_wait3A_284 : memref<1x512xf32, #tpu.memory_space<vmem>> -> memref<512xf32, #tpu.memory_space<vmem>>
    %dma_wait3A_286 = arith.constant 0 : i32
    %dma_wait3A_287 = tpu.memref_slice %arg5[%dma_wait3A_281, %dma_wait3A_286] : memref<16x1000000xf32, #tpu.memory_space<hbm>> -> memref<1x1000000xf32, #tpu.memory_space<hbm>>
    %dma_wait3A_288 = tpu.memref_squeeze %dma_wait3A_287 : memref<1x1000000xf32, #tpu.memory_space<hbm>> -> memref<1000000xf32, #tpu.memory_space<hbm>>
    %dma_wait3A_289 = arith.constant 0 : i32
    %dma_wait3A_290 = tpu.memref_slice %dma_wait3A_288[%dma_wait3A_289] : memref<1000000xf32, #tpu.memory_space<hbm>> -> memref<1000000xf32, #tpu.memory_space<hbm>>
    tpu.wait_indirect_dma semaphore(%arg17 : memref<!tpu.dma_semaphore, #tpu.memory_space<semaphore_mem>>) src(%dma_wait3A_290 : memref<1000000xf32, #tpu.memory_space<hbm>>) dst(%dma_wait3A_285 : memref<512xf32, #tpu.memory_space<vmem>>)
    %dma_wait3A_291 = arith.constant 9 : i32
    %dma_wait3A_292 = arith.constant 9 : i32
    %dma_wait3A_293 = arith.constant 0 : i32
    %dma_wait3A_294 = tpu.memref_slice %arg14[%dma_wait3A_292, %dma_wait3A_293] : memref<16x512xf32, #tpu.memory_space<vmem>> -> memref<1x512xf32, #tpu.memory_space<vmem>>
    %dma_wait3A_295 = tpu.memref_squeeze %dma_wait3A_294 : memref<1x512xf32, #tpu.memory_space<vmem>> -> memref<512xf32, #tpu.memory_space<vmem>>
    %dma_wait3A_296 = arith.constant 0 : i32
    %dma_wait3A_297 = tpu.memref_slice %arg5[%dma_wait3A_291, %dma_wait3A_296] : memref<16x1000000xf32, #tpu.memory_space<hbm>> -> memref<1x1000000xf32, #tpu.memory_space<hbm>>
    %dma_wait3A_298 = tpu.memref_squeeze %dma_wait3A_297 : memref<1x1000000xf32, #tpu.memory_space<hbm>> -> memref<1000000xf32, #tpu.memory_space<hbm>>
    %dma_wait3A_299 = arith.constant 0 : i32
    %dma_wait3A_300 = tpu.memref_slice %dma_wait3A_298[%dma_wait3A_299] : memref<1000000xf32, #tpu.memory_space<hbm>> -> memref<1000000xf32, #tpu.memory_space<hbm>>
    tpu.wait_indirect_dma semaphore(%arg17 : memref<!tpu.dma_semaphore, #tpu.memory_space<semaphore_mem>>) src(%dma_wait3A_300 : memref<1000000xf32, #tpu.memory_space<hbm>>) dst(%dma_wait3A_295 : memref<512xf32, #tpu.memory_space<vmem>>)
    %dma_wait3A_301 = arith.constant 10 : i32
    %dma_wait3A_302 = arith.constant 10 : i32
    %dma_wait3A_303 = arith.constant 0 : i32
    %dma_wait3A_304 = tpu.memref_slice %arg14[%dma_wait3A_302, %dma_wait3A_303] : memref<16x512xf32, #tpu.memory_space<vmem>> -> memref<1x512xf32, #tpu.memory_space<vmem>>
    %dma_wait3A_305 = tpu.memref_squeeze %dma_wait3A_304 : memref<1x512xf32, #tpu.memory_space<vmem>> -> memref<512xf32, #tpu.memory_space<vmem>>
    %dma_wait3A_306 = arith.constant 0 : i32
    %dma_wait3A_307 = tpu.memref_slice %arg5[%dma_wait3A_301, %dma_wait3A_306] : memref<16x1000000xf32, #tpu.memory_space<hbm>> -> memref<1x1000000xf32, #tpu.memory_space<hbm>>
    %dma_wait3A_308 = tpu.memref_squeeze %dma_wait3A_307 : memref<1x1000000xf32, #tpu.memory_space<hbm>> -> memref<1000000xf32, #tpu.memory_space<hbm>>
    %dma_wait3A_309 = arith.constant 0 : i32
    %dma_wait3A_310 = tpu.memref_slice %dma_wait3A_308[%dma_wait3A_309] : memref<1000000xf32, #tpu.memory_space<hbm>> -> memref<1000000xf32, #tpu.memory_space<hbm>>
    tpu.wait_indirect_dma semaphore(%arg17 : memref<!tpu.dma_semaphore, #tpu.memory_space<semaphore_mem>>) src(%dma_wait3A_310 : memref<1000000xf32, #tpu.memory_space<hbm>>) dst(%dma_wait3A_305 : memref<512xf32, #tpu.memory_space<vmem>>)
    %dma_wait3A_311 = arith.constant 11 : i32
    %dma_wait3A_312 = arith.constant 11 : i32
    %dma_wait3A_313 = arith.constant 0 : i32
    %dma_wait3A_314 = tpu.memref_slice %arg14[%dma_wait3A_312, %dma_wait3A_313] : memref<16x512xf32, #tpu.memory_space<vmem>> -> memref<1x512xf32, #tpu.memory_space<vmem>>
    %dma_wait3A_315 = tpu.memref_squeeze %dma_wait3A_314 : memref<1x512xf32, #tpu.memory_space<vmem>> -> memref<512xf32, #tpu.memory_space<vmem>>
    %dma_wait3A_316 = arith.constant 0 : i32
    %dma_wait3A_317 = tpu.memref_slice %arg5[%dma_wait3A_311, %dma_wait3A_316] : memref<16x1000000xf32, #tpu.memory_space<hbm>> -> memref<1x1000000xf32, #tpu.memory_space<hbm>>
    %dma_wait3A_318 = tpu.memref_squeeze %dma_wait3A_317 : memref<1x1000000xf32, #tpu.memory_space<hbm>> -> memref<1000000xf32, #tpu.memory_space<hbm>>
    %dma_wait3A_319 = arith.constant 0 : i32
    %dma_wait3A_320 = tpu.memref_slice %dma_wait3A_318[%dma_wait3A_319] : memref<1000000xf32, #tpu.memory_space<hbm>> -> memref<1000000xf32, #tpu.memory_space<hbm>>
    tpu.wait_indirect_dma semaphore(%arg17 : memref<!tpu.dma_semaphore, #tpu.memory_space<semaphore_mem>>) src(%dma_wait3A_320 : memref<1000000xf32, #tpu.memory_space<hbm>>) dst(%dma_wait3A_315 : memref<512xf32, #tpu.memory_space<vmem>>)
    %dma_wait3A_321 = arith.constant 12 : i32
    %dma_wait3A_322 = arith.constant 12 : i32
    %dma_wait3A_323 = arith.constant 0 : i32
    %dma_wait3A_324 = tpu.memref_slice %arg14[%dma_wait3A_322, %dma_wait3A_323] : memref<16x512xf32, #tpu.memory_space<vmem>> -> memref<1x512xf32, #tpu.memory_space<vmem>>
    %dma_wait3A_325 = tpu.memref_squeeze %dma_wait3A_324 : memref<1x512xf32, #tpu.memory_space<vmem>> -> memref<512xf32, #tpu.memory_space<vmem>>
    %dma_wait3A_326 = arith.constant 0 : i32
    %dma_wait3A_327 = tpu.memref_slice %arg5[%dma_wait3A_321, %dma_wait3A_326] : memref<16x1000000xf32, #tpu.memory_space<hbm>> -> memref<1x1000000xf32, #tpu.memory_space<hbm>>
    %dma_wait3A_328 = tpu.memref_squeeze %dma_wait3A_327 : memref<1x1000000xf32, #tpu.memory_space<hbm>> -> memref<1000000xf32, #tpu.memory_space<hbm>>
    %dma_wait3A_329 = arith.constant 0 : i32
    %dma_wait3A_330 = tpu.memref_slice %dma_wait3A_328[%dma_wait3A_329] : memref<1000000xf32, #tpu.memory_space<hbm>> -> memref<1000000xf32, #tpu.memory_space<hbm>>
    tpu.wait_indirect_dma semaphore(%arg17 : memref<!tpu.dma_semaphore, #tpu.memory_space<semaphore_mem>>) src(%dma_wait3A_330 : memref<1000000xf32, #tpu.memory_space<hbm>>) dst(%dma_wait3A_325 : memref<512xf32, #tpu.memory_space<vmem>>)
    %dma_wait3A_331 = arith.constant 13 : i32
    %dma_wait3A_332 = arith.constant 13 : i32
    %dma_wait3A_333 = arith.constant 0 : i32
    %dma_wait3A_334 = tpu.memref_slice %arg14[%dma_wait3A_332, %dma_wait3A_333] : memref<16x512xf32, #tpu.memory_space<vmem>> -> memref<1x512xf32, #tpu.memory_space<vmem>>
    %dma_wait3A_335 = tpu.memref_squeeze %dma_wait3A_334 : memref<1x512xf32, #tpu.memory_space<vmem>> -> memref<512xf32, #tpu.memory_space<vmem>>
    %dma_wait3A_336 = arith.constant 0 : i32
    %dma_wait3A_337 = tpu.memref_slice %arg5[%dma_wait3A_331, %dma_wait3A_336] : memref<16x1000000xf32, #tpu.memory_space<hbm>> -> memref<1x1000000xf32, #tpu.memory_space<hbm>>
    %dma_wait3A_338 = tpu.memref_squeeze %dma_wait3A_337 : memref<1x1000000xf32, #tpu.memory_space<hbm>> -> memref<1000000xf32, #tpu.memory_space<hbm>>
    %dma_wait3A_339 = arith.constant 0 : i32
    %dma_wait3A_340 = tpu.memref_slice %dma_wait3A_338[%dma_wait3A_339] : memref<1000000xf32, #tpu.memory_space<hbm>> -> memref<1000000xf32, #tpu.memory_space<hbm>>
    tpu.wait_indirect_dma semaphore(%arg17 : memref<!tpu.dma_semaphore, #tpu.memory_space<semaphore_mem>>) src(%dma_wait3A_340 : memref<1000000xf32, #tpu.memory_space<hbm>>) dst(%dma_wait3A_335 : memref<512xf32, #tpu.memory_space<vmem>>)
    %dma_wait3A_341 = arith.constant 14 : i32
    %dma_wait3A_342 = arith.constant 14 : i32
    %dma_wait3A_343 = arith.constant 0 : i32
    %dma_wait3A_344 = tpu.memref_slice %arg14[%dma_wait3A_342, %dma_wait3A_343] : memref<16x512xf32, #tpu.memory_space<vmem>> -> memref<1x512xf32, #tpu.memory_space<vmem>>
    %dma_wait3A_345 = tpu.memref_squeeze %dma_wait3A_344 : memref<1x512xf32, #tpu.memory_space<vmem>> -> memref<512xf32, #tpu.memory_space<vmem>>
    %dma_wait3A_346 = arith.constant 0 : i32
    %dma_wait3A_347 = tpu.memref_slice %arg5[%dma_wait3A_341, %dma_wait3A_346] : memref<16x1000000xf32, #tpu.memory_space<hbm>> -> memref<1x1000000xf32, #tpu.memory_space<hbm>>
    %dma_wait3A_348 = tpu.memref_squeeze %dma_wait3A_347 : memref<1x1000000xf32, #tpu.memory_space<hbm>> -> memref<1000000xf32, #tpu.memory_space<hbm>>
    %dma_wait3A_349 = arith.constant 0 : i32
    %dma_wait3A_350 = tpu.memref_slice %dma_wait3A_348[%dma_wait3A_349] : memref<1000000xf32, #tpu.memory_space<hbm>> -> memref<1000000xf32, #tpu.memory_space<hbm>>
    tpu.wait_indirect_dma semaphore(%arg17 : memref<!tpu.dma_semaphore, #tpu.memory_space<semaphore_mem>>) src(%dma_wait3A_350 : memref<1000000xf32, #tpu.memory_space<hbm>>) dst(%dma_wait3A_345 : memref<512xf32, #tpu.memory_space<vmem>>)
    %dma_wait3A_351 = arith.constant 15 : i32
    %dma_wait3A_352 = arith.constant 15 : i32
    %dma_wait3A_353 = arith.constant 0 : i32
    %dma_wait3A_354 = tpu.memref_slice %arg14[%dma_wait3A_352, %dma_wait3A_353] : memref<16x512xf32, #tpu.memory_space<vmem>> -> memref<1x512xf32, #tpu.memory_space<vmem>>
    %dma_wait3A_355 = tpu.memref_squeeze %dma_wait3A_354 : memref<1x512xf32, #tpu.memory_space<vmem>> -> memref<512xf32, #tpu.memory_space<vmem>>
    %dma_wait3A_356 = arith.constant 0 : i32
    %dma_wait3A_357 = tpu.memref_slice %arg5[%dma_wait3A_351, %dma_wait3A_356] : memref<16x1000000xf32, #tpu.memory_space<hbm>> -> memref<1x1000000xf32, #tpu.memory_space<hbm>>
    %dma_wait3A_358 = tpu.memref_squeeze %dma_wait3A_357 : memref<1x1000000xf32, #tpu.memory_space<hbm>> -> memref<1000000xf32, #tpu.memory_space<hbm>>
    %dma_wait3A_359 = arith.constant 0 : i32
    %dma_wait3A_360 = tpu.memref_slice %dma_wait3A_358[%dma_wait3A_359] : memref<1000000xf32, #tpu.memory_space<hbm>> -> memref<1000000xf32, #tpu.memory_space<hbm>>
    tpu.wait_indirect_dma semaphore(%arg17 : memref<!tpu.dma_semaphore, #tpu.memory_space<semaphore_mem>>) src(%dma_wait3A_360 : memref<1000000xf32, #tpu.memory_space<hbm>>) dst(%dma_wait3A_355 : memref<512xf32, #tpu.memory_space<vmem>>)
    "tpu.region"() ({
      %run_scoped3A = tpu.sem_alloc : memref<!tpu.dma_semaphore, #tpu.memory_space<semaphore_mem>>
      %dma_start3A_1001 = arith.constant 0 : i32
      %dma_start3A_1002 = tpu.memref_slice %arg7[%dma_start3A_1001, %mul3A_2] : memref<16x16384xf32, #tpu.memory_space<hbm>> -> memref<16x512xf32, #tpu.memory_space<hbm>>
      %dma_start3A_1003 = arith.constant 0 : i32
      %dma_start3A_1004 = tpu.memref_slice %arg7[%dma_start3A_1003, %mul3A_2] : memref<16x16384xf32, #tpu.memory_space<hbm>> -> memref<16x512xf32, #tpu.memory_space<hbm>>
      tpu.enqueue_dma source(%arg14 : memref<16x512xf32, #tpu.memory_space<vmem>>) target(%dma_start3A_1004 : memref<16x512xf32, #tpu.memory_space<hbm>>) target_semaphore(%run_scoped3A : memref<!tpu.dma_semaphore, #tpu.memory_space<semaphore_mem>>)
      %dma_wait3A_1005 = arith.constant 0 : i32
      %dma_wait3A_1006 = tpu.memref_slice %arg7[%dma_wait3A_1005, %mul3A_2] : memref<16x16384xf32, #tpu.memory_space<hbm>> -> memref<16x512xf32, #tpu.memory_space<hbm>>
      %dma_wait3A_1007 = arith.constant 0 : i32
      %dma_wait3A_1008 = tpu.memref_slice %arg7[%dma_wait3A_1007, %mul3A_2] : memref<16x16384xf32, #tpu.memory_space<hbm>> -> memref<16x512xf32, #tpu.memory_space<hbm>>
      tpu.wait_dma2 semaphore(%run_scoped3A : memref<!tpu.dma_semaphore, #tpu.memory_space<semaphore_mem>>) src(%arg14 : memref<16x512xf32, #tpu.memory_space<vmem>>) dst(%dma_wait3A_1008 : memref<16x512xf32, #tpu.memory_space<hbm>>)
      tpu.yield
    }) : () -> ()
    %dma_start3A_361 = arith.constant 0 : i32
    %dma_start3A_362 = arith.constant 0 : i32
    %dma_start3A_363 = arith.constant 0 : i32
    %dma_start3A_364 = tpu.memref_slice %arg15[%dma_start3A_362, %dma_start3A_363] : memref<16x512xf32, #tpu.memory_space<vmem>> -> memref<1x512xf32, #tpu.memory_space<vmem>>
    %dma_start3A_365 = tpu.memref_squeeze %dma_start3A_364 : memref<1x512xf32, #tpu.memory_space<vmem>> -> memref<512xf32, #tpu.memory_space<vmem>>
    %dma_start3A_366 = arith.constant 0 : i32
    %dma_start3A_367 = tpu.memref_slice %arg6[%dma_start3A_361, %dma_start3A_366] : memref<16x1000000xf32, #tpu.memory_space<hbm>> -> memref<1x1000000xf32, #tpu.memory_space<hbm>>
    %dma_start3A_368 = tpu.memref_squeeze %dma_start3A_367 : memref<1x1000000xf32, #tpu.memory_space<hbm>> -> memref<1000000xf32, #tpu.memory_space<hbm>>
    %dma_start3A_369 = arith.constant 0 : i32
    %dma_start3A_370 = tpu.memref_slice %dma_start3A_368[%dma_start3A_369] : memref<1000000xf32, #tpu.memory_space<hbm>> -> memref<1000000xf32, #tpu.memory_space<hbm>>
    tpu.enqueue_indirect_dma source(%dma_start3A_370 : memref<1000000xf32, #tpu.memory_space<hbm>>) target(%dma_start3A_365 : memref<512xf32, #tpu.memory_space<vmem>>) offsets(%arg11 : memref<512xi32, #tpu.memory_space<vmem>>) semaphore(%arg18 : memref<!tpu.dma_semaphore, #tpu.memory_space<semaphore_mem>>)
    %dma_start3A_371 = arith.constant 1 : i32
    %dma_start3A_372 = arith.constant 1 : i32
    %dma_start3A_373 = arith.constant 0 : i32
    %dma_start3A_374 = tpu.memref_slice %arg15[%dma_start3A_372, %dma_start3A_373] : memref<16x512xf32, #tpu.memory_space<vmem>> -> memref<1x512xf32, #tpu.memory_space<vmem>>
    %dma_start3A_375 = tpu.memref_squeeze %dma_start3A_374 : memref<1x512xf32, #tpu.memory_space<vmem>> -> memref<512xf32, #tpu.memory_space<vmem>>
    %dma_start3A_376 = arith.constant 0 : i32
    %dma_start3A_377 = tpu.memref_slice %arg6[%dma_start3A_371, %dma_start3A_376] : memref<16x1000000xf32, #tpu.memory_space<hbm>> -> memref<1x1000000xf32, #tpu.memory_space<hbm>>
    %dma_start3A_378 = tpu.memref_squeeze %dma_start3A_377 : memref<1x1000000xf32, #tpu.memory_space<hbm>> -> memref<1000000xf32, #tpu.memory_space<hbm>>
    %dma_start3A_379 = arith.constant 0 : i32
    %dma_start3A_380 = tpu.memref_slice %dma_start3A_378[%dma_start3A_379] : memref<1000000xf32, #tpu.memory_space<hbm>> -> memref<1000000xf32, #tpu.memory_space<hbm>>
    tpu.enqueue_indirect_dma source(%dma_start3A_380 : memref<1000000xf32, #tpu.memory_space<hbm>>) target(%dma_start3A_375 : memref<512xf32, #tpu.memory_space<vmem>>) offsets(%arg11 : memref<512xi32, #tpu.memory_space<vmem>>) semaphore(%arg18 : memref<!tpu.dma_semaphore, #tpu.memory_space<semaphore_mem>>)
    %dma_start3A_381 = arith.constant 2 : i32
    %dma_start3A_382 = arith.constant 2 : i32
    %dma_start3A_383 = arith.constant 0 : i32
    %dma_start3A_384 = tpu.memref_slice %arg15[%dma_start3A_382, %dma_start3A_383] : memref<16x512xf32, #tpu.memory_space<vmem>> -> memref<1x512xf32, #tpu.memory_space<vmem>>
    %dma_start3A_385 = tpu.memref_squeeze %dma_start3A_384 : memref<1x512xf32, #tpu.memory_space<vmem>> -> memref<512xf32, #tpu.memory_space<vmem>>
    %dma_start3A_386 = arith.constant 0 : i32
    %dma_start3A_387 = tpu.memref_slice %arg6[%dma_start3A_381, %dma_start3A_386] : memref<16x1000000xf32, #tpu.memory_space<hbm>> -> memref<1x1000000xf32, #tpu.memory_space<hbm>>
    %dma_start3A_388 = tpu.memref_squeeze %dma_start3A_387 : memref<1x1000000xf32, #tpu.memory_space<hbm>> -> memref<1000000xf32, #tpu.memory_space<hbm>>
    %dma_start3A_389 = arith.constant 0 : i32
    %dma_start3A_390 = tpu.memref_slice %dma_start3A_388[%dma_start3A_389] : memref<1000000xf32, #tpu.memory_space<hbm>> -> memref<1000000xf32, #tpu.memory_space<hbm>>
    tpu.enqueue_indirect_dma source(%dma_start3A_390 : memref<1000000xf32, #tpu.memory_space<hbm>>) target(%dma_start3A_385 : memref<512xf32, #tpu.memory_space<vmem>>) offsets(%arg11 : memref<512xi32, #tpu.memory_space<vmem>>) semaphore(%arg18 : memref<!tpu.dma_semaphore, #tpu.memory_space<semaphore_mem>>)
    %dma_start3A_391 = arith.constant 3 : i32
    %dma_start3A_392 = arith.constant 3 : i32
    %dma_start3A_393 = arith.constant 0 : i32
    %dma_start3A_394 = tpu.memref_slice %arg15[%dma_start3A_392, %dma_start3A_393] : memref<16x512xf32, #tpu.memory_space<vmem>> -> memref<1x512xf32, #tpu.memory_space<vmem>>
    %dma_start3A_395 = tpu.memref_squeeze %dma_start3A_394 : memref<1x512xf32, #tpu.memory_space<vmem>> -> memref<512xf32, #tpu.memory_space<vmem>>
    %dma_start3A_396 = arith.constant 0 : i32
    %dma_start3A_397 = tpu.memref_slice %arg6[%dma_start3A_391, %dma_start3A_396] : memref<16x1000000xf32, #tpu.memory_space<hbm>> -> memref<1x1000000xf32, #tpu.memory_space<hbm>>
    %dma_start3A_398 = tpu.memref_squeeze %dma_start3A_397 : memref<1x1000000xf32, #tpu.memory_space<hbm>> -> memref<1000000xf32, #tpu.memory_space<hbm>>
    %dma_start3A_399 = arith.constant 0 : i32
    %dma_start3A_400 = tpu.memref_slice %dma_start3A_398[%dma_start3A_399] : memref<1000000xf32, #tpu.memory_space<hbm>> -> memref<1000000xf32, #tpu.memory_space<hbm>>
    tpu.enqueue_indirect_dma source(%dma_start3A_400 : memref<1000000xf32, #tpu.memory_space<hbm>>) target(%dma_start3A_395 : memref<512xf32, #tpu.memory_space<vmem>>) offsets(%arg11 : memref<512xi32, #tpu.memory_space<vmem>>) semaphore(%arg18 : memref<!tpu.dma_semaphore, #tpu.memory_space<semaphore_mem>>)
    %dma_start3A_401 = arith.constant 4 : i32
    %dma_start3A_402 = arith.constant 4 : i32
    %dma_start3A_403 = arith.constant 0 : i32
    %dma_start3A_404 = tpu.memref_slice %arg15[%dma_start3A_402, %dma_start3A_403] : memref<16x512xf32, #tpu.memory_space<vmem>> -> memref<1x512xf32, #tpu.memory_space<vmem>>
    %dma_start3A_405 = tpu.memref_squeeze %dma_start3A_404 : memref<1x512xf32, #tpu.memory_space<vmem>> -> memref<512xf32, #tpu.memory_space<vmem>>
    %dma_start3A_406 = arith.constant 0 : i32
    %dma_start3A_407 = tpu.memref_slice %arg6[%dma_start3A_401, %dma_start3A_406] : memref<16x1000000xf32, #tpu.memory_space<hbm>> -> memref<1x1000000xf32, #tpu.memory_space<hbm>>
    %dma_start3A_408 = tpu.memref_squeeze %dma_start3A_407 : memref<1x1000000xf32, #tpu.memory_space<hbm>> -> memref<1000000xf32, #tpu.memory_space<hbm>>
    %dma_start3A_409 = arith.constant 0 : i32
    %dma_start3A_410 = tpu.memref_slice %dma_start3A_408[%dma_start3A_409] : memref<1000000xf32, #tpu.memory_space<hbm>> -> memref<1000000xf32, #tpu.memory_space<hbm>>
    tpu.enqueue_indirect_dma source(%dma_start3A_410 : memref<1000000xf32, #tpu.memory_space<hbm>>) target(%dma_start3A_405 : memref<512xf32, #tpu.memory_space<vmem>>) offsets(%arg11 : memref<512xi32, #tpu.memory_space<vmem>>) semaphore(%arg18 : memref<!tpu.dma_semaphore, #tpu.memory_space<semaphore_mem>>)
    %dma_start3A_411 = arith.constant 5 : i32
    %dma_start3A_412 = arith.constant 5 : i32
    %dma_start3A_413 = arith.constant 0 : i32
    %dma_start3A_414 = tpu.memref_slice %arg15[%dma_start3A_412, %dma_start3A_413] : memref<16x512xf32, #tpu.memory_space<vmem>> -> memref<1x512xf32, #tpu.memory_space<vmem>>
    %dma_start3A_415 = tpu.memref_squeeze %dma_start3A_414 : memref<1x512xf32, #tpu.memory_space<vmem>> -> memref<512xf32, #tpu.memory_space<vmem>>
    %dma_start3A_416 = arith.constant 0 : i32
    %dma_start3A_417 = tpu.memref_slice %arg6[%dma_start3A_411, %dma_start3A_416] : memref<16x1000000xf32, #tpu.memory_space<hbm>> -> memref<1x1000000xf32, #tpu.memory_space<hbm>>
    %dma_start3A_418 = tpu.memref_squeeze %dma_start3A_417 : memref<1x1000000xf32, #tpu.memory_space<hbm>> -> memref<1000000xf32, #tpu.memory_space<hbm>>
    %dma_start3A_419 = arith.constant 0 : i32
    %dma_start3A_420 = tpu.memref_slice %dma_start3A_418[%dma_start3A_419] : memref<1000000xf32, #tpu.memory_space<hbm>> -> memref<1000000xf32, #tpu.memory_space<hbm>>
    tpu.enqueue_indirect_dma source(%dma_start3A_420 : memref<1000000xf32, #tpu.memory_space<hbm>>) target(%dma_start3A_415 : memref<512xf32, #tpu.memory_space<vmem>>) offsets(%arg11 : memref<512xi32, #tpu.memory_space<vmem>>) semaphore(%arg18 : memref<!tpu.dma_semaphore, #tpu.memory_space<semaphore_mem>>)
    %dma_start3A_421 = arith.constant 6 : i32
    %dma_start3A_422 = arith.constant 6 : i32
    %dma_start3A_423 = arith.constant 0 : i32
    %dma_start3A_424 = tpu.memref_slice %arg15[%dma_start3A_422, %dma_start3A_423] : memref<16x512xf32, #tpu.memory_space<vmem>> -> memref<1x512xf32, #tpu.memory_space<vmem>>
    %dma_start3A_425 = tpu.memref_squeeze %dma_start3A_424 : memref<1x512xf32, #tpu.memory_space<vmem>> -> memref<512xf32, #tpu.memory_space<vmem>>
    %dma_start3A_426 = arith.constant 0 : i32
    %dma_start3A_427 = tpu.memref_slice %arg6[%dma_start3A_421, %dma_start3A_426] : memref<16x1000000xf32, #tpu.memory_space<hbm>> -> memref<1x1000000xf32, #tpu.memory_space<hbm>>
    %dma_start3A_428 = tpu.memref_squeeze %dma_start3A_427 : memref<1x1000000xf32, #tpu.memory_space<hbm>> -> memref<1000000xf32, #tpu.memory_space<hbm>>
    %dma_start3A_429 = arith.constant 0 : i32
    %dma_start3A_430 = tpu.memref_slice %dma_start3A_428[%dma_start3A_429] : memref<1000000xf32, #tpu.memory_space<hbm>> -> memref<1000000xf32, #tpu.memory_space<hbm>>
    tpu.enqueue_indirect_dma source(%dma_start3A_430 : memref<1000000xf32, #tpu.memory_space<hbm>>) target(%dma_start3A_425 : memref<512xf32, #tpu.memory_space<vmem>>) offsets(%arg11 : memref<512xi32, #tpu.memory_space<vmem>>) semaphore(%arg18 : memref<!tpu.dma_semaphore, #tpu.memory_space<semaphore_mem>>)
    %dma_start3A_431 = arith.constant 7 : i32
    %dma_start3A_432 = arith.constant 7 : i32
    %dma_start3A_433 = arith.constant 0 : i32
    %dma_start3A_434 = tpu.memref_slice %arg15[%dma_start3A_432, %dma_start3A_433] : memref<16x512xf32, #tpu.memory_space<vmem>> -> memref<1x512xf32, #tpu.memory_space<vmem>>
    %dma_start3A_435 = tpu.memref_squeeze %dma_start3A_434 : memref<1x512xf32, #tpu.memory_space<vmem>> -> memref<512xf32, #tpu.memory_space<vmem>>
    %dma_start3A_436 = arith.constant 0 : i32
    %dma_start3A_437 = tpu.memref_slice %arg6[%dma_start3A_431, %dma_start3A_436] : memref<16x1000000xf32, #tpu.memory_space<hbm>> -> memref<1x1000000xf32, #tpu.memory_space<hbm>>
    %dma_start3A_438 = tpu.memref_squeeze %dma_start3A_437 : memref<1x1000000xf32, #tpu.memory_space<hbm>> -> memref<1000000xf32, #tpu.memory_space<hbm>>
    %dma_start3A_439 = arith.constant 0 : i32
    %dma_start3A_440 = tpu.memref_slice %dma_start3A_438[%dma_start3A_439] : memref<1000000xf32, #tpu.memory_space<hbm>> -> memref<1000000xf32, #tpu.memory_space<hbm>>
    tpu.enqueue_indirect_dma source(%dma_start3A_440 : memref<1000000xf32, #tpu.memory_space<hbm>>) target(%dma_start3A_435 : memref<512xf32, #tpu.memory_space<vmem>>) offsets(%arg11 : memref<512xi32, #tpu.memory_space<vmem>>) semaphore(%arg18 : memref<!tpu.dma_semaphore, #tpu.memory_space<semaphore_mem>>)
    %dma_start3A_441 = arith.constant 8 : i32
    %dma_start3A_442 = arith.constant 8 : i32
    %dma_start3A_443 = arith.constant 0 : i32
    %dma_start3A_444 = tpu.memref_slice %arg15[%dma_start3A_442, %dma_start3A_443] : memref<16x512xf32, #tpu.memory_space<vmem>> -> memref<1x512xf32, #tpu.memory_space<vmem>>
    %dma_start3A_445 = tpu.memref_squeeze %dma_start3A_444 : memref<1x512xf32, #tpu.memory_space<vmem>> -> memref<512xf32, #tpu.memory_space<vmem>>
    %dma_start3A_446 = arith.constant 0 : i32
    %dma_start3A_447 = tpu.memref_slice %arg6[%dma_start3A_441, %dma_start3A_446] : memref<16x1000000xf32, #tpu.memory_space<hbm>> -> memref<1x1000000xf32, #tpu.memory_space<hbm>>
    %dma_start3A_448 = tpu.memref_squeeze %dma_start3A_447 : memref<1x1000000xf32, #tpu.memory_space<hbm>> -> memref<1000000xf32, #tpu.memory_space<hbm>>
    %dma_start3A_449 = arith.constant 0 : i32
    %dma_start3A_450 = tpu.memref_slice %dma_start3A_448[%dma_start3A_449] : memref<1000000xf32, #tpu.memory_space<hbm>> -> memref<1000000xf32, #tpu.memory_space<hbm>>
    tpu.enqueue_indirect_dma source(%dma_start3A_450 : memref<1000000xf32, #tpu.memory_space<hbm>>) target(%dma_start3A_445 : memref<512xf32, #tpu.memory_space<vmem>>) offsets(%arg11 : memref<512xi32, #tpu.memory_space<vmem>>) semaphore(%arg18 : memref<!tpu.dma_semaphore, #tpu.memory_space<semaphore_mem>>)
    %dma_start3A_451 = arith.constant 9 : i32
    %dma_start3A_452 = arith.constant 9 : i32
    %dma_start3A_453 = arith.constant 0 : i32
    %dma_start3A_454 = tpu.memref_slice %arg15[%dma_start3A_452, %dma_start3A_453] : memref<16x512xf32, #tpu.memory_space<vmem>> -> memref<1x512xf32, #tpu.memory_space<vmem>>
    %dma_start3A_455 = tpu.memref_squeeze %dma_start3A_454 : memref<1x512xf32, #tpu.memory_space<vmem>> -> memref<512xf32, #tpu.memory_space<vmem>>
    %dma_start3A_456 = arith.constant 0 : i32
    %dma_start3A_457 = tpu.memref_slice %arg6[%dma_start3A_451, %dma_start3A_456] : memref<16x1000000xf32, #tpu.memory_space<hbm>> -> memref<1x1000000xf32, #tpu.memory_space<hbm>>
    %dma_start3A_458 = tpu.memref_squeeze %dma_start3A_457 : memref<1x1000000xf32, #tpu.memory_space<hbm>> -> memref<1000000xf32, #tpu.memory_space<hbm>>
    %dma_start3A_459 = arith.constant 0 : i32
    %dma_start3A_460 = tpu.memref_slice %dma_start3A_458[%dma_start3A_459] : memref<1000000xf32, #tpu.memory_space<hbm>> -> memref<1000000xf32, #tpu.memory_space<hbm>>
    tpu.enqueue_indirect_dma source(%dma_start3A_460 : memref<1000000xf32, #tpu.memory_space<hbm>>) target(%dma_start3A_455 : memref<512xf32, #tpu.memory_space<vmem>>) offsets(%arg11 : memref<512xi32, #tpu.memory_space<vmem>>) semaphore(%arg18 : memref<!tpu.dma_semaphore, #tpu.memory_space<semaphore_mem>>)
    %dma_start3A_461 = arith.constant 10 : i32
    %dma_start3A_462 = arith.constant 10 : i32
    %dma_start3A_463 = arith.constant 0 : i32
    %dma_start3A_464 = tpu.memref_slice %arg15[%dma_start3A_462, %dma_start3A_463] : memref<16x512xf32, #tpu.memory_space<vmem>> -> memref<1x512xf32, #tpu.memory_space<vmem>>
    %dma_start3A_465 = tpu.memref_squeeze %dma_start3A_464 : memref<1x512xf32, #tpu.memory_space<vmem>> -> memref<512xf32, #tpu.memory_space<vmem>>
    %dma_start3A_466 = arith.constant 0 : i32
    %dma_start3A_467 = tpu.memref_slice %arg6[%dma_start3A_461, %dma_start3A_466] : memref<16x1000000xf32, #tpu.memory_space<hbm>> -> memref<1x1000000xf32, #tpu.memory_space<hbm>>
    %dma_start3A_468 = tpu.memref_squeeze %dma_start3A_467 : memref<1x1000000xf32, #tpu.memory_space<hbm>> -> memref<1000000xf32, #tpu.memory_space<hbm>>
    %dma_start3A_469 = arith.constant 0 : i32
    %dma_start3A_470 = tpu.memref_slice %dma_start3A_468[%dma_start3A_469] : memref<1000000xf32, #tpu.memory_space<hbm>> -> memref<1000000xf32, #tpu.memory_space<hbm>>
    tpu.enqueue_indirect_dma source(%dma_start3A_470 : memref<1000000xf32, #tpu.memory_space<hbm>>) target(%dma_start3A_465 : memref<512xf32, #tpu.memory_space<vmem>>) offsets(%arg11 : memref<512xi32, #tpu.memory_space<vmem>>) semaphore(%arg18 : memref<!tpu.dma_semaphore, #tpu.memory_space<semaphore_mem>>)
    %dma_start3A_471 = arith.constant 11 : i32
    %dma_start3A_472 = arith.constant 11 : i32
    %dma_start3A_473 = arith.constant 0 : i32
    %dma_start3A_474 = tpu.memref_slice %arg15[%dma_start3A_472, %dma_start3A_473] : memref<16x512xf32, #tpu.memory_space<vmem>> -> memref<1x512xf32, #tpu.memory_space<vmem>>
    %dma_start3A_475 = tpu.memref_squeeze %dma_start3A_474 : memref<1x512xf32, #tpu.memory_space<vmem>> -> memref<512xf32, #tpu.memory_space<vmem>>
    %dma_start3A_476 = arith.constant 0 : i32
    %dma_start3A_477 = tpu.memref_slice %arg6[%dma_start3A_471, %dma_start3A_476] : memref<16x1000000xf32, #tpu.memory_space<hbm>> -> memref<1x1000000xf32, #tpu.memory_space<hbm>>
    %dma_start3A_478 = tpu.memref_squeeze %dma_start3A_477 : memref<1x1000000xf32, #tpu.memory_space<hbm>> -> memref<1000000xf32, #tpu.memory_space<hbm>>
    %dma_start3A_479 = arith.constant 0 : i32
    %dma_start3A_480 = tpu.memref_slice %dma_start3A_478[%dma_start3A_479] : memref<1000000xf32, #tpu.memory_space<hbm>> -> memref<1000000xf32, #tpu.memory_space<hbm>>
    tpu.enqueue_indirect_dma source(%dma_start3A_480 : memref<1000000xf32, #tpu.memory_space<hbm>>) target(%dma_start3A_475 : memref<512xf32, #tpu.memory_space<vmem>>) offsets(%arg11 : memref<512xi32, #tpu.memory_space<vmem>>) semaphore(%arg18 : memref<!tpu.dma_semaphore, #tpu.memory_space<semaphore_mem>>)
    %dma_start3A_481 = arith.constant 12 : i32
    %dma_start3A_482 = arith.constant 12 : i32
    %dma_start3A_483 = arith.constant 0 : i32
    %dma_start3A_484 = tpu.memref_slice %arg15[%dma_start3A_482, %dma_start3A_483] : memref<16x512xf32, #tpu.memory_space<vmem>> -> memref<1x512xf32, #tpu.memory_space<vmem>>
    %dma_start3A_485 = tpu.memref_squeeze %dma_start3A_484 : memref<1x512xf32, #tpu.memory_space<vmem>> -> memref<512xf32, #tpu.memory_space<vmem>>
    %dma_start3A_486 = arith.constant 0 : i32
    %dma_start3A_487 = tpu.memref_slice %arg6[%dma_start3A_481, %dma_start3A_486] : memref<16x1000000xf32, #tpu.memory_space<hbm>> -> memref<1x1000000xf32, #tpu.memory_space<hbm>>
    %dma_start3A_488 = tpu.memref_squeeze %dma_start3A_487 : memref<1x1000000xf32, #tpu.memory_space<hbm>> -> memref<1000000xf32, #tpu.memory_space<hbm>>
    %dma_start3A_489 = arith.constant 0 : i32
    %dma_start3A_490 = tpu.memref_slice %dma_start3A_488[%dma_start3A_489] : memref<1000000xf32, #tpu.memory_space<hbm>> -> memref<1000000xf32, #tpu.memory_space<hbm>>
    tpu.enqueue_indirect_dma source(%dma_start3A_490 : memref<1000000xf32, #tpu.memory_space<hbm>>) target(%dma_start3A_485 : memref<512xf32, #tpu.memory_space<vmem>>) offsets(%arg11 : memref<512xi32, #tpu.memory_space<vmem>>) semaphore(%arg18 : memref<!tpu.dma_semaphore, #tpu.memory_space<semaphore_mem>>)
    %dma_start3A_491 = arith.constant 13 : i32
    %dma_start3A_492 = arith.constant 13 : i32
    %dma_start3A_493 = arith.constant 0 : i32
    %dma_start3A_494 = tpu.memref_slice %arg15[%dma_start3A_492, %dma_start3A_493] : memref<16x512xf32, #tpu.memory_space<vmem>> -> memref<1x512xf32, #tpu.memory_space<vmem>>
    %dma_start3A_495 = tpu.memref_squeeze %dma_start3A_494 : memref<1x512xf32, #tpu.memory_space<vmem>> -> memref<512xf32, #tpu.memory_space<vmem>>
    %dma_start3A_496 = arith.constant 0 : i32
    %dma_start3A_497 = tpu.memref_slice %arg6[%dma_start3A_491, %dma_start3A_496] : memref<16x1000000xf32, #tpu.memory_space<hbm>> -> memref<1x1000000xf32, #tpu.memory_space<hbm>>
    %dma_start3A_498 = tpu.memref_squeeze %dma_start3A_497 : memref<1x1000000xf32, #tpu.memory_space<hbm>> -> memref<1000000xf32, #tpu.memory_space<hbm>>
    %dma_start3A_499 = arith.constant 0 : i32
    %dma_start3A_500 = tpu.memref_slice %dma_start3A_498[%dma_start3A_499] : memref<1000000xf32, #tpu.memory_space<hbm>> -> memref<1000000xf32, #tpu.memory_space<hbm>>
    tpu.enqueue_indirect_dma source(%dma_start3A_500 : memref<1000000xf32, #tpu.memory_space<hbm>>) target(%dma_start3A_495 : memref<512xf32, #tpu.memory_space<vmem>>) offsets(%arg11 : memref<512xi32, #tpu.memory_space<vmem>>) semaphore(%arg18 : memref<!tpu.dma_semaphore, #tpu.memory_space<semaphore_mem>>)
    %dma_start3A_501 = arith.constant 14 : i32
    %dma_start3A_502 = arith.constant 14 : i32
    %dma_start3A_503 = arith.constant 0 : i32
    %dma_start3A_504 = tpu.memref_slice %arg15[%dma_start3A_502, %dma_start3A_503] : memref<16x512xf32, #tpu.memory_space<vmem>> -> memref<1x512xf32, #tpu.memory_space<vmem>>
    %dma_start3A_505 = tpu.memref_squeeze %dma_start3A_504 : memref<1x512xf32, #tpu.memory_space<vmem>> -> memref<512xf32, #tpu.memory_space<vmem>>
    %dma_start3A_506 = arith.constant 0 : i32
    %dma_start3A_507 = tpu.memref_slice %arg6[%dma_start3A_501, %dma_start3A_506] : memref<16x1000000xf32, #tpu.memory_space<hbm>> -> memref<1x1000000xf32, #tpu.memory_space<hbm>>
    %dma_start3A_508 = tpu.memref_squeeze %dma_start3A_507 : memref<1x1000000xf32, #tpu.memory_space<hbm>> -> memref<1000000xf32, #tpu.memory_space<hbm>>
    %dma_start3A_509 = arith.constant 0 : i32
    %dma_start3A_510 = tpu.memref_slice %dma_start3A_508[%dma_start3A_509] : memref<1000000xf32, #tpu.memory_space<hbm>> -> memref<1000000xf32, #tpu.memory_space<hbm>>
    tpu.enqueue_indirect_dma source(%dma_start3A_510 : memref<1000000xf32, #tpu.memory_space<hbm>>) target(%dma_start3A_505 : memref<512xf32, #tpu.memory_space<vmem>>) offsets(%arg11 : memref<512xi32, #tpu.memory_space<vmem>>) semaphore(%arg18 : memref<!tpu.dma_semaphore, #tpu.memory_space<semaphore_mem>>)
    %dma_start3A_511 = arith.constant 15 : i32
    %dma_start3A_512 = arith.constant 15 : i32
    %dma_start3A_513 = arith.constant 0 : i32
    %dma_start3A_514 = tpu.memref_slice %arg15[%dma_start3A_512, %dma_start3A_513] : memref<16x512xf32, #tpu.memory_space<vmem>> -> memref<1x512xf32, #tpu.memory_space<vmem>>
    %dma_start3A_515 = tpu.memref_squeeze %dma_start3A_514 : memref<1x512xf32, #tpu.memory_space<vmem>> -> memref<512xf32, #tpu.memory_space<vmem>>
    %dma_start3A_516 = arith.constant 0 : i32
    %dma_start3A_517 = tpu.memref_slice %arg6[%dma_start3A_511, %dma_start3A_516] : memref<16x1000000xf32, #tpu.memory_space<hbm>> -> memref<1x1000000xf32, #tpu.memory_space<hbm>>
    %dma_start3A_518 = tpu.memref_squeeze %dma_start3A_517 : memref<1x1000000xf32, #tpu.memory_space<hbm>> -> memref<1000000xf32, #tpu.memory_space<hbm>>
    %dma_start3A_519 = arith.constant 0 : i32
    %dma_start3A_520 = tpu.memref_slice %dma_start3A_518[%dma_start3A_519] : memref<1000000xf32, #tpu.memory_space<hbm>> -> memref<1000000xf32, #tpu.memory_space<hbm>>
    tpu.enqueue_indirect_dma source(%dma_start3A_520 : memref<1000000xf32, #tpu.memory_space<hbm>>) target(%dma_start3A_515 : memref<512xf32, #tpu.memory_space<vmem>>) offsets(%arg11 : memref<512xi32, #tpu.memory_space<vmem>>) semaphore(%arg18 : memref<!tpu.dma_semaphore, #tpu.memory_space<semaphore_mem>>)
    %dma_wait3A_521 = arith.constant 0 : i32
    %dma_wait3A_522 = arith.constant 0 : i32
    %dma_wait3A_523 = arith.constant 0 : i32
    %dma_wait3A_524 = tpu.memref_slice %arg15[%dma_wait3A_522, %dma_wait3A_523] : memref<16x512xf32, #tpu.memory_space<vmem>> -> memref<1x512xf32, #tpu.memory_space<vmem>>
    %dma_wait3A_525 = tpu.memref_squeeze %dma_wait3A_524 : memref<1x512xf32, #tpu.memory_space<vmem>> -> memref<512xf32, #tpu.memory_space<vmem>>
    %dma_wait3A_526 = arith.constant 0 : i32
    %dma_wait3A_527 = tpu.memref_slice %arg6[%dma_wait3A_521, %dma_wait3A_526] : memref<16x1000000xf32, #tpu.memory_space<hbm>> -> memref<1x1000000xf32, #tpu.memory_space<hbm>>
    %dma_wait3A_528 = tpu.memref_squeeze %dma_wait3A_527 : memref<1x1000000xf32, #tpu.memory_space<hbm>> -> memref<1000000xf32, #tpu.memory_space<hbm>>
    %dma_wait3A_529 = arith.constant 0 : i32
    %dma_wait3A_530 = tpu.memref_slice %dma_wait3A_528[%dma_wait3A_529] : memref<1000000xf32, #tpu.memory_space<hbm>> -> memref<1000000xf32, #tpu.memory_space<hbm>>
    tpu.wait_indirect_dma semaphore(%arg18 : memref<!tpu.dma_semaphore, #tpu.memory_space<semaphore_mem>>) src(%dma_wait3A_530 : memref<1000000xf32, #tpu.memory_space<hbm>>) dst(%dma_wait3A_525 : memref<512xf32, #tpu.memory_space<vmem>>)
    %dma_wait3A_531 = arith.constant 1 : i32
    %dma_wait3A_532 = arith.constant 1 : i32
    %dma_wait3A_533 = arith.constant 0 : i32
    %dma_wait3A_534 = tpu.memref_slice %arg15[%dma_wait3A_532, %dma_wait3A_533] : memref<16x512xf32, #tpu.memory_space<vmem>> -> memref<1x512xf32, #tpu.memory_space<vmem>>
    %dma_wait3A_535 = tpu.memref_squeeze %dma_wait3A_534 : memref<1x512xf32, #tpu.memory_space<vmem>> -> memref<512xf32, #tpu.memory_space<vmem>>
    %dma_wait3A_536 = arith.constant 0 : i32
    %dma_wait3A_537 = tpu.memref_slice %arg6[%dma_wait3A_531, %dma_wait3A_536] : memref<16x1000000xf32, #tpu.memory_space<hbm>> -> memref<1x1000000xf32, #tpu.memory_space<hbm>>
    %dma_wait3A_538 = tpu.memref_squeeze %dma_wait3A_537 : memref<1x1000000xf32, #tpu.memory_space<hbm>> -> memref<1000000xf32, #tpu.memory_space<hbm>>
    %dma_wait3A_539 = arith.constant 0 : i32
    %dma_wait3A_540 = tpu.memref_slice %dma_wait3A_538[%dma_wait3A_539] : memref<1000000xf32, #tpu.memory_space<hbm>> -> memref<1000000xf32, #tpu.memory_space<hbm>>
    tpu.wait_indirect_dma semaphore(%arg18 : memref<!tpu.dma_semaphore, #tpu.memory_space<semaphore_mem>>) src(%dma_wait3A_540 : memref<1000000xf32, #tpu.memory_space<hbm>>) dst(%dma_wait3A_535 : memref<512xf32, #tpu.memory_space<vmem>>)
    %dma_wait3A_541 = arith.constant 2 : i32
    %dma_wait3A_542 = arith.constant 2 : i32
    %dma_wait3A_543 = arith.constant 0 : i32
    %dma_wait3A_544 = tpu.memref_slice %arg15[%dma_wait3A_542, %dma_wait3A_543] : memref<16x512xf32, #tpu.memory_space<vmem>> -> memref<1x512xf32, #tpu.memory_space<vmem>>
    %dma_wait3A_545 = tpu.memref_squeeze %dma_wait3A_544 : memref<1x512xf32, #tpu.memory_space<vmem>> -> memref<512xf32, #tpu.memory_space<vmem>>
    %dma_wait3A_546 = arith.constant 0 : i32
    %dma_wait3A_547 = tpu.memref_slice %arg6[%dma_wait3A_541, %dma_wait3A_546] : memref<16x1000000xf32, #tpu.memory_space<hbm>> -> memref<1x1000000xf32, #tpu.memory_space<hbm>>
    %dma_wait3A_548 = tpu.memref_squeeze %dma_wait3A_547 : memref<1x1000000xf32, #tpu.memory_space<hbm>> -> memref<1000000xf32, #tpu.memory_space<hbm>>
    %dma_wait3A_549 = arith.constant 0 : i32
    %dma_wait3A_550 = tpu.memref_slice %dma_wait3A_548[%dma_wait3A_549] : memref<1000000xf32, #tpu.memory_space<hbm>> -> memref<1000000xf32, #tpu.memory_space<hbm>>
    tpu.wait_indirect_dma semaphore(%arg18 : memref<!tpu.dma_semaphore, #tpu.memory_space<semaphore_mem>>) src(%dma_wait3A_550 : memref<1000000xf32, #tpu.memory_space<hbm>>) dst(%dma_wait3A_545 : memref<512xf32, #tpu.memory_space<vmem>>)
    %dma_wait3A_551 = arith.constant 3 : i32
    %dma_wait3A_552 = arith.constant 3 : i32
    %dma_wait3A_553 = arith.constant 0 : i32
    %dma_wait3A_554 = tpu.memref_slice %arg15[%dma_wait3A_552, %dma_wait3A_553] : memref<16x512xf32, #tpu.memory_space<vmem>> -> memref<1x512xf32, #tpu.memory_space<vmem>>
    %dma_wait3A_555 = tpu.memref_squeeze %dma_wait3A_554 : memref<1x512xf32, #tpu.memory_space<vmem>> -> memref<512xf32, #tpu.memory_space<vmem>>
    %dma_wait3A_556 = arith.constant 0 : i32
    %dma_wait3A_557 = tpu.memref_slice %arg6[%dma_wait3A_551, %dma_wait3A_556] : memref<16x1000000xf32, #tpu.memory_space<hbm>> -> memref<1x1000000xf32, #tpu.memory_space<hbm>>
    %dma_wait3A_558 = tpu.memref_squeeze %dma_wait3A_557 : memref<1x1000000xf32, #tpu.memory_space<hbm>> -> memref<1000000xf32, #tpu.memory_space<hbm>>
    %dma_wait3A_559 = arith.constant 0 : i32
    %dma_wait3A_560 = tpu.memref_slice %dma_wait3A_558[%dma_wait3A_559] : memref<1000000xf32, #tpu.memory_space<hbm>> -> memref<1000000xf32, #tpu.memory_space<hbm>>
    tpu.wait_indirect_dma semaphore(%arg18 : memref<!tpu.dma_semaphore, #tpu.memory_space<semaphore_mem>>) src(%dma_wait3A_560 : memref<1000000xf32, #tpu.memory_space<hbm>>) dst(%dma_wait3A_555 : memref<512xf32, #tpu.memory_space<vmem>>)
    %dma_wait3A_561 = arith.constant 4 : i32
    %dma_wait3A_562 = arith.constant 4 : i32
    %dma_wait3A_563 = arith.constant 0 : i32
    %dma_wait3A_564 = tpu.memref_slice %arg15[%dma_wait3A_562, %dma_wait3A_563] : memref<16x512xf32, #tpu.memory_space<vmem>> -> memref<1x512xf32, #tpu.memory_space<vmem>>
    %dma_wait3A_565 = tpu.memref_squeeze %dma_wait3A_564 : memref<1x512xf32, #tpu.memory_space<vmem>> -> memref<512xf32, #tpu.memory_space<vmem>>
    %dma_wait3A_566 = arith.constant 0 : i32
    %dma_wait3A_567 = tpu.memref_slice %arg6[%dma_wait3A_561, %dma_wait3A_566] : memref<16x1000000xf32, #tpu.memory_space<hbm>> -> memref<1x1000000xf32, #tpu.memory_space<hbm>>
    %dma_wait3A_568 = tpu.memref_squeeze %dma_wait3A_567 : memref<1x1000000xf32, #tpu.memory_space<hbm>> -> memref<1000000xf32, #tpu.memory_space<hbm>>
    %dma_wait3A_569 = arith.constant 0 : i32
    %dma_wait3A_570 = tpu.memref_slice %dma_wait3A_568[%dma_wait3A_569] : memref<1000000xf32, #tpu.memory_space<hbm>> -> memref<1000000xf32, #tpu.memory_space<hbm>>
    tpu.wait_indirect_dma semaphore(%arg18 : memref<!tpu.dma_semaphore, #tpu.memory_space<semaphore_mem>>) src(%dma_wait3A_570 : memref<1000000xf32, #tpu.memory_space<hbm>>) dst(%dma_wait3A_565 : memref<512xf32, #tpu.memory_space<vmem>>)
    %dma_wait3A_571 = arith.constant 5 : i32
    %dma_wait3A_572 = arith.constant 5 : i32
    %dma_wait3A_573 = arith.constant 0 : i32
    %dma_wait3A_574 = tpu.memref_slice %arg15[%dma_wait3A_572, %dma_wait3A_573] : memref<16x512xf32, #tpu.memory_space<vmem>> -> memref<1x512xf32, #tpu.memory_space<vmem>>
    %dma_wait3A_575 = tpu.memref_squeeze %dma_wait3A_574 : memref<1x512xf32, #tpu.memory_space<vmem>> -> memref<512xf32, #tpu.memory_space<vmem>>
    %dma_wait3A_576 = arith.constant 0 : i32
    %dma_wait3A_577 = tpu.memref_slice %arg6[%dma_wait3A_571, %dma_wait3A_576] : memref<16x1000000xf32, #tpu.memory_space<hbm>> -> memref<1x1000000xf32, #tpu.memory_space<hbm>>
    %dma_wait3A_578 = tpu.memref_squeeze %dma_wait3A_577 : memref<1x1000000xf32, #tpu.memory_space<hbm>> -> memref<1000000xf32, #tpu.memory_space<hbm>>
    %dma_wait3A_579 = arith.constant 0 : i32
    %dma_wait3A_580 = tpu.memref_slice %dma_wait3A_578[%dma_wait3A_579] : memref<1000000xf32, #tpu.memory_space<hbm>> -> memref<1000000xf32, #tpu.memory_space<hbm>>
    tpu.wait_indirect_dma semaphore(%arg18 : memref<!tpu.dma_semaphore, #tpu.memory_space<semaphore_mem>>) src(%dma_wait3A_580 : memref<1000000xf32, #tpu.memory_space<hbm>>) dst(%dma_wait3A_575 : memref<512xf32, #tpu.memory_space<vmem>>)
    %dma_wait3A_581 = arith.constant 6 : i32
    %dma_wait3A_582 = arith.constant 6 : i32
    %dma_wait3A_583 = arith.constant 0 : i32
    %dma_wait3A_584 = tpu.memref_slice %arg15[%dma_wait3A_582, %dma_wait3A_583] : memref<16x512xf32, #tpu.memory_space<vmem>> -> memref<1x512xf32, #tpu.memory_space<vmem>>
    %dma_wait3A_585 = tpu.memref_squeeze %dma_wait3A_584 : memref<1x512xf32, #tpu.memory_space<vmem>> -> memref<512xf32, #tpu.memory_space<vmem>>
    %dma_wait3A_586 = arith.constant 0 : i32
    %dma_wait3A_587 = tpu.memref_slice %arg6[%dma_wait3A_581, %dma_wait3A_586] : memref<16x1000000xf32, #tpu.memory_space<hbm>> -> memref<1x1000000xf32, #tpu.memory_space<hbm>>
    %dma_wait3A_588 = tpu.memref_squeeze %dma_wait3A_587 : memref<1x1000000xf32, #tpu.memory_space<hbm>> -> memref<1000000xf32, #tpu.memory_space<hbm>>
    %dma_wait3A_589 = arith.constant 0 : i32
    %dma_wait3A_590 = tpu.memref_slice %dma_wait3A_588[%dma_wait3A_589] : memref<1000000xf32, #tpu.memory_space<hbm>> -> memref<1000000xf32, #tpu.memory_space<hbm>>
    tpu.wait_indirect_dma semaphore(%arg18 : memref<!tpu.dma_semaphore, #tpu.memory_space<semaphore_mem>>) src(%dma_wait3A_590 : memref<1000000xf32, #tpu.memory_space<hbm>>) dst(%dma_wait3A_585 : memref<512xf32, #tpu.memory_space<vmem>>)
    %dma_wait3A_591 = arith.constant 7 : i32
    %dma_wait3A_592 = arith.constant 7 : i32
    %dma_wait3A_593 = arith.constant 0 : i32
    %dma_wait3A_594 = tpu.memref_slice %arg15[%dma_wait3A_592, %dma_wait3A_593] : memref<16x512xf32, #tpu.memory_space<vmem>> -> memref<1x512xf32, #tpu.memory_space<vmem>>
    %dma_wait3A_595 = tpu.memref_squeeze %dma_wait3A_594 : memref<1x512xf32, #tpu.memory_space<vmem>> -> memref<512xf32, #tpu.memory_space<vmem>>
    %dma_wait3A_596 = arith.constant 0 : i32
    %dma_wait3A_597 = tpu.memref_slice %arg6[%dma_wait3A_591, %dma_wait3A_596] : memref<16x1000000xf32, #tpu.memory_space<hbm>> -> memref<1x1000000xf32, #tpu.memory_space<hbm>>
    %dma_wait3A_598 = tpu.memref_squeeze %dma_wait3A_597 : memref<1x1000000xf32, #tpu.memory_space<hbm>> -> memref<1000000xf32, #tpu.memory_space<hbm>>
    %dma_wait3A_599 = arith.constant 0 : i32
    %dma_wait3A_600 = tpu.memref_slice %dma_wait3A_598[%dma_wait3A_599] : memref<1000000xf32, #tpu.memory_space<hbm>> -> memref<1000000xf32, #tpu.memory_space<hbm>>
    tpu.wait_indirect_dma semaphore(%arg18 : memref<!tpu.dma_semaphore, #tpu.memory_space<semaphore_mem>>) src(%dma_wait3A_600 : memref<1000000xf32, #tpu.memory_space<hbm>>) dst(%dma_wait3A_595 : memref<512xf32, #tpu.memory_space<vmem>>)
    %dma_wait3A_601 = arith.constant 8 : i32
    %dma_wait3A_602 = arith.constant 8 : i32
    %dma_wait3A_603 = arith.constant 0 : i32
    %dma_wait3A_604 = tpu.memref_slice %arg15[%dma_wait3A_602, %dma_wait3A_603] : memref<16x512xf32, #tpu.memory_space<vmem>> -> memref<1x512xf32, #tpu.memory_space<vmem>>
    %dma_wait3A_605 = tpu.memref_squeeze %dma_wait3A_604 : memref<1x512xf32, #tpu.memory_space<vmem>> -> memref<512xf32, #tpu.memory_space<vmem>>
    %dma_wait3A_606 = arith.constant 0 : i32
    %dma_wait3A_607 = tpu.memref_slice %arg6[%dma_wait3A_601, %dma_wait3A_606] : memref<16x1000000xf32, #tpu.memory_space<hbm>> -> memref<1x1000000xf32, #tpu.memory_space<hbm>>
    %dma_wait3A_608 = tpu.memref_squeeze %dma_wait3A_607 : memref<1x1000000xf32, #tpu.memory_space<hbm>> -> memref<1000000xf32, #tpu.memory_space<hbm>>
    %dma_wait3A_609 = arith.constant 0 : i32
    %dma_wait3A_610 = tpu.memref_slice %dma_wait3A_608[%dma_wait3A_609] : memref<1000000xf32, #tpu.memory_space<hbm>> -> memref<1000000xf32, #tpu.memory_space<hbm>>
    tpu.wait_indirect_dma semaphore(%arg18 : memref<!tpu.dma_semaphore, #tpu.memory_space<semaphore_mem>>) src(%dma_wait3A_610 : memref<1000000xf32, #tpu.memory_space<hbm>>) dst(%dma_wait3A_605 : memref<512xf32, #tpu.memory_space<vmem>>)
    %dma_wait3A_611 = arith.constant 9 : i32
    %dma_wait3A_612 = arith.constant 9 : i32
    %dma_wait3A_613 = arith.constant 0 : i32
    %dma_wait3A_614 = tpu.memref_slice %arg15[%dma_wait3A_612, %dma_wait3A_613] : memref<16x512xf32, #tpu.memory_space<vmem>> -> memref<1x512xf32, #tpu.memory_space<vmem>>
    %dma_wait3A_615 = tpu.memref_squeeze %dma_wait3A_614 : memref<1x512xf32, #tpu.memory_space<vmem>> -> memref<512xf32, #tpu.memory_space<vmem>>
    %dma_wait3A_616 = arith.constant 0 : i32
    %dma_wait3A_617 = tpu.memref_slice %arg6[%dma_wait3A_611, %dma_wait3A_616] : memref<16x1000000xf32, #tpu.memory_space<hbm>> -> memref<1x1000000xf32, #tpu.memory_space<hbm>>
    %dma_wait3A_618 = tpu.memref_squeeze %dma_wait3A_617 : memref<1x1000000xf32, #tpu.memory_space<hbm>> -> memref<1000000xf32, #tpu.memory_space<hbm>>
    %dma_wait3A_619 = arith.constant 0 : i32
    %dma_wait3A_620 = tpu.memref_slice %dma_wait3A_618[%dma_wait3A_619] : memref<1000000xf32, #tpu.memory_space<hbm>> -> memref<1000000xf32, #tpu.memory_space<hbm>>
    tpu.wait_indirect_dma semaphore(%arg18 : memref<!tpu.dma_semaphore, #tpu.memory_space<semaphore_mem>>) src(%dma_wait3A_620 : memref<1000000xf32, #tpu.memory_space<hbm>>) dst(%dma_wait3A_615 : memref<512xf32, #tpu.memory_space<vmem>>)
    %dma_wait3A_621 = arith.constant 10 : i32
    %dma_wait3A_622 = arith.constant 10 : i32
    %dma_wait3A_623 = arith.constant 0 : i32
    %dma_wait3A_624 = tpu.memref_slice %arg15[%dma_wait3A_622, %dma_wait3A_623] : memref<16x512xf32, #tpu.memory_space<vmem>> -> memref<1x512xf32, #tpu.memory_space<vmem>>
    %dma_wait3A_625 = tpu.memref_squeeze %dma_wait3A_624 : memref<1x512xf32, #tpu.memory_space<vmem>> -> memref<512xf32, #tpu.memory_space<vmem>>
    %dma_wait3A_626 = arith.constant 0 : i32
    %dma_wait3A_627 = tpu.memref_slice %arg6[%dma_wait3A_621, %dma_wait3A_626] : memref<16x1000000xf32, #tpu.memory_space<hbm>> -> memref<1x1000000xf32, #tpu.memory_space<hbm>>
    %dma_wait3A_628 = tpu.memref_squeeze %dma_wait3A_627 : memref<1x1000000xf32, #tpu.memory_space<hbm>> -> memref<1000000xf32, #tpu.memory_space<hbm>>
    %dma_wait3A_629 = arith.constant 0 : i32
    %dma_wait3A_630 = tpu.memref_slice %dma_wait3A_628[%dma_wait3A_629] : memref<1000000xf32, #tpu.memory_space<hbm>> -> memref<1000000xf32, #tpu.memory_space<hbm>>
    tpu.wait_indirect_dma semaphore(%arg18 : memref<!tpu.dma_semaphore, #tpu.memory_space<semaphore_mem>>) src(%dma_wait3A_630 : memref<1000000xf32, #tpu.memory_space<hbm>>) dst(%dma_wait3A_625 : memref<512xf32, #tpu.memory_space<vmem>>)
    %dma_wait3A_631 = arith.constant 11 : i32
    %dma_wait3A_632 = arith.constant 11 : i32
    %dma_wait3A_633 = arith.constant 0 : i32
    %dma_wait3A_634 = tpu.memref_slice %arg15[%dma_wait3A_632, %dma_wait3A_633] : memref<16x512xf32, #tpu.memory_space<vmem>> -> memref<1x512xf32, #tpu.memory_space<vmem>>
    %dma_wait3A_635 = tpu.memref_squeeze %dma_wait3A_634 : memref<1x512xf32, #tpu.memory_space<vmem>> -> memref<512xf32, #tpu.memory_space<vmem>>
    %dma_wait3A_636 = arith.constant 0 : i32
    %dma_wait3A_637 = tpu.memref_slice %arg6[%dma_wait3A_631, %dma_wait3A_636] : memref<16x1000000xf32, #tpu.memory_space<hbm>> -> memref<1x1000000xf32, #tpu.memory_space<hbm>>
    %dma_wait3A_638 = tpu.memref_squeeze %dma_wait3A_637 : memref<1x1000000xf32, #tpu.memory_space<hbm>> -> memref<1000000xf32, #tpu.memory_space<hbm>>
    %dma_wait3A_639 = arith.constant 0 : i32
    %dma_wait3A_640 = tpu.memref_slice %dma_wait3A_638[%dma_wait3A_639] : memref<1000000xf32, #tpu.memory_space<hbm>> -> memref<1000000xf32, #tpu.memory_space<hbm>>
    tpu.wait_indirect_dma semaphore(%arg18 : memref<!tpu.dma_semaphore, #tpu.memory_space<semaphore_mem>>) src(%dma_wait3A_640 : memref<1000000xf32, #tpu.memory_space<hbm>>) dst(%dma_wait3A_635 : memref<512xf32, #tpu.memory_space<vmem>>)
    %dma_wait3A_641 = arith.constant 12 : i32
    %dma_wait3A_642 = arith.constant 12 : i32
    %dma_wait3A_643 = arith.constant 0 : i32
    %dma_wait3A_644 = tpu.memref_slice %arg15[%dma_wait3A_642, %dma_wait3A_643] : memref<16x512xf32, #tpu.memory_space<vmem>> -> memref<1x512xf32, #tpu.memory_space<vmem>>
    %dma_wait3A_645 = tpu.memref_squeeze %dma_wait3A_644 : memref<1x512xf32, #tpu.memory_space<vmem>> -> memref<512xf32, #tpu.memory_space<vmem>>
    %dma_wait3A_646 = arith.constant 0 : i32
    %dma_wait3A_647 = tpu.memref_slice %arg6[%dma_wait3A_641, %dma_wait3A_646] : memref<16x1000000xf32, #tpu.memory_space<hbm>> -> memref<1x1000000xf32, #tpu.memory_space<hbm>>
    %dma_wait3A_648 = tpu.memref_squeeze %dma_wait3A_647 : memref<1x1000000xf32, #tpu.memory_space<hbm>> -> memref<1000000xf32, #tpu.memory_space<hbm>>
    %dma_wait3A_649 = arith.constant 0 : i32
    %dma_wait3A_650 = tpu.memref_slice %dma_wait3A_648[%dma_wait3A_649] : memref<1000000xf32, #tpu.memory_space<hbm>> -> memref<1000000xf32, #tpu.memory_space<hbm>>
    tpu.wait_indirect_dma semaphore(%arg18 : memref<!tpu.dma_semaphore, #tpu.memory_space<semaphore_mem>>) src(%dma_wait3A_650 : memref<1000000xf32, #tpu.memory_space<hbm>>) dst(%dma_wait3A_645 : memref<512xf32, #tpu.memory_space<vmem>>)
    %dma_wait3A_651 = arith.constant 13 : i32
    %dma_wait3A_652 = arith.constant 13 : i32
    %dma_wait3A_653 = arith.constant 0 : i32
    %dma_wait3A_654 = tpu.memref_slice %arg15[%dma_wait3A_652, %dma_wait3A_653] : memref<16x512xf32, #tpu.memory_space<vmem>> -> memref<1x512xf32, #tpu.memory_space<vmem>>
    %dma_wait3A_655 = tpu.memref_squeeze %dma_wait3A_654 : memref<1x512xf32, #tpu.memory_space<vmem>> -> memref<512xf32, #tpu.memory_space<vmem>>
    %dma_wait3A_656 = arith.constant 0 : i32
    %dma_wait3A_657 = tpu.memref_slice %arg6[%dma_wait3A_651, %dma_wait3A_656] : memref<16x1000000xf32, #tpu.memory_space<hbm>> -> memref<1x1000000xf32, #tpu.memory_space<hbm>>
    %dma_wait3A_658 = tpu.memref_squeeze %dma_wait3A_657 : memref<1x1000000xf32, #tpu.memory_space<hbm>> -> memref<1000000xf32, #tpu.memory_space<hbm>>
    %dma_wait3A_659 = arith.constant 0 : i32
    %dma_wait3A_660 = tpu.memref_slice %dma_wait3A_658[%dma_wait3A_659] : memref<1000000xf32, #tpu.memory_space<hbm>> -> memref<1000000xf32, #tpu.memory_space<hbm>>
    tpu.wait_indirect_dma semaphore(%arg18 : memref<!tpu.dma_semaphore, #tpu.memory_space<semaphore_mem>>) src(%dma_wait3A_660 : memref<1000000xf32, #tpu.memory_space<hbm>>) dst(%dma_wait3A_655 : memref<512xf32, #tpu.memory_space<vmem>>)
    %dma_wait3A_661 = arith.constant 14 : i32
    %dma_wait3A_662 = arith.constant 14 : i32
    %dma_wait3A_663 = arith.constant 0 : i32
    %dma_wait3A_664 = tpu.memref_slice %arg15[%dma_wait3A_662, %dma_wait3A_663] : memref<16x512xf32, #tpu.memory_space<vmem>> -> memref<1x512xf32, #tpu.memory_space<vmem>>
    %dma_wait3A_665 = tpu.memref_squeeze %dma_wait3A_664 : memref<1x512xf32, #tpu.memory_space<vmem>> -> memref<512xf32, #tpu.memory_space<vmem>>
    %dma_wait3A_666 = arith.constant 0 : i32
    %dma_wait3A_667 = tpu.memref_slice %arg6[%dma_wait3A_661, %dma_wait3A_666] : memref<16x1000000xf32, #tpu.memory_space<hbm>> -> memref<1x1000000xf32, #tpu.memory_space<hbm>>
    %dma_wait3A_668 = tpu.memref_squeeze %dma_wait3A_667 : memref<1x1000000xf32, #tpu.memory_space<hbm>> -> memref<1000000xf32, #tpu.memory_space<hbm>>
    %dma_wait3A_669 = arith.constant 0 : i32
    %dma_wait3A_670 = tpu.memref_slice %dma_wait3A_668[%dma_wait3A_669] : memref<1000000xf32, #tpu.memory_space<hbm>> -> memref<1000000xf32, #tpu.memory_space<hbm>>
    tpu.wait_indirect_dma semaphore(%arg18 : memref<!tpu.dma_semaphore, #tpu.memory_space<semaphore_mem>>) src(%dma_wait3A_670 : memref<1000000xf32, #tpu.memory_space<hbm>>) dst(%dma_wait3A_665 : memref<512xf32, #tpu.memory_space<vmem>>)
    %dma_wait3A_671 = arith.constant 15 : i32
    %dma_wait3A_672 = arith.constant 15 : i32
    %dma_wait3A_673 = arith.constant 0 : i32
    %dma_wait3A_674 = tpu.memref_slice %arg15[%dma_wait3A_672, %dma_wait3A_673] : memref<16x512xf32, #tpu.memory_space<vmem>> -> memref<1x512xf32, #tpu.memory_space<vmem>>
    %dma_wait3A_675 = tpu.memref_squeeze %dma_wait3A_674 : memref<1x512xf32, #tpu.memory_space<vmem>> -> memref<512xf32, #tpu.memory_space<vmem>>
    %dma_wait3A_676 = arith.constant 0 : i32
    %dma_wait3A_677 = tpu.memref_slice %arg6[%dma_wait3A_671, %dma_wait3A_676] : memref<16x1000000xf32, #tpu.memory_space<hbm>> -> memref<1x1000000xf32, #tpu.memory_space<hbm>>
    %dma_wait3A_678 = tpu.memref_squeeze %dma_wait3A_677 : memref<1x1000000xf32, #tpu.memory_space<hbm>> -> memref<1000000xf32, #tpu.memory_space<hbm>>
    %dma_wait3A_679 = arith.constant 0 : i32
    %dma_wait3A_680 = tpu.memref_slice %dma_wait3A_678[%dma_wait3A_679] : memref<1000000xf32, #tpu.memory_space<hbm>> -> memref<1000000xf32, #tpu.memory_space<hbm>>
    tpu.wait_indirect_dma semaphore(%arg18 : memref<!tpu.dma_semaphore, #tpu.memory_space<semaphore_mem>>) src(%dma_wait3A_680 : memref<1000000xf32, #tpu.memory_space<hbm>>) dst(%dma_wait3A_675 : memref<512xf32, #tpu.memory_space<vmem>>)
    "tpu.region"() ({
      %run_scoped3A = tpu.sem_alloc : memref<!tpu.dma_semaphore, #tpu.memory_space<semaphore_mem>>
      %dma_start3A_1001 = arith.constant 0 : i32
      %dma_start3A_1002 = tpu.memref_slice %arg8[%dma_start3A_1001, %mul3A_2] : memref<16x16384xf32, #tpu.memory_space<hbm>> -> memref<16x512xf32, #tpu.memory_space<hbm>>
      %dma_start3A_1003 = arith.constant 0 : i32
      %dma_start3A_1004 = tpu.memref_slice %arg8[%dma_start3A_1003, %mul3A_2] : memref<16x16384xf32, #tpu.memory_space<hbm>> -> memref<16x512xf32, #tpu.memory_space<hbm>>
      tpu.enqueue_dma source(%arg15 : memref<16x512xf32, #tpu.memory_space<vmem>>) target(%dma_start3A_1004 : memref<16x512xf32, #tpu.memory_space<hbm>>) target_semaphore(%run_scoped3A : memref<!tpu.dma_semaphore, #tpu.memory_space<semaphore_mem>>)
      %dma_wait3A_1005 = arith.constant 0 : i32
      %dma_wait3A_1006 = tpu.memref_slice %arg8[%dma_wait3A_1005, %mul3A_2] : memref<16x16384xf32, #tpu.memory_space<hbm>> -> memref<16x512xf32, #tpu.memory_space<hbm>>
      %dma_wait3A_1007 = arith.constant 0 : i32
      %dma_wait3A_1008 = tpu.memref_slice %arg8[%dma_wait3A_1007, %mul3A_2] : memref<16x16384xf32, #tpu.memory_space<hbm>> -> memref<16x512xf32, #tpu.memory_space<hbm>>
      tpu.wait_dma2 semaphore(%run_scoped3A : memref<!tpu.dma_semaphore, #tpu.memory_space<semaphore_mem>>) src(%arg15 : memref<16x512xf32, #tpu.memory_space<vmem>>) dst(%dma_wait3A_1008 : memref<16x512xf32, #tpu.memory_space<hbm>>)
      tpu.yield
    }) : () -> ()
    %dma_start3A_681 = arith.constant 0 : i32
    %dma_start3A_682 = arith.constant 0 : i32
    %dma_start3A_683 = arith.constant 0 : i32
    %dma_start3A_684 = tpu.memref_slice %arg16[%dma_start3A_682, %dma_start3A_683] : memref<16x2048xf32, #tpu.memory_space<vmem>> -> memref<1x2048xf32, #tpu.memory_space<vmem>>
    %dma_start3A_685 = tpu.memref_squeeze %dma_start3A_684 : memref<1x2048xf32, #tpu.memory_space<vmem>> -> memref<2048xf32, #tpu.memory_space<vmem>>
    %dma_start3A_686 = arith.constant 0 : i32
    %dma_start3A_687 = tpu.memref_slice %arg6[%dma_start3A_681, %dma_start3A_686] : memref<16x1000000xf32, #tpu.memory_space<hbm>> -> memref<1x1000000xf32, #tpu.memory_space<hbm>>
    %dma_start3A_688 = tpu.memref_squeeze %dma_start3A_687 : memref<1x1000000xf32, #tpu.memory_space<hbm>> -> memref<1000000xf32, #tpu.memory_space<hbm>>
    %dma_start3A_689 = arith.constant 0 : i32
    %dma_start3A_690 = tpu.memref_slice %dma_start3A_688[%dma_start3A_689] : memref<1000000xf32, #tpu.memory_space<hbm>> -> memref<1000000xf32, #tpu.memory_space<hbm>>
    tpu.enqueue_indirect_dma source(%dma_start3A_690 : memref<1000000xf32, #tpu.memory_space<hbm>>) target(%dma_start3A_685 : memref<2048xf32, #tpu.memory_space<vmem>>) offsets(%arg13 : memref<2048xi32, #tpu.memory_space<vmem>>) semaphore(%arg19 : memref<!tpu.dma_semaphore, #tpu.memory_space<semaphore_mem>>)
    %dma_start3A_691 = arith.constant 1 : i32
    %dma_start3A_692 = arith.constant 1 : i32
    %dma_start3A_693 = arith.constant 0 : i32
    %dma_start3A_694 = tpu.memref_slice %arg16[%dma_start3A_692, %dma_start3A_693] : memref<16x2048xf32, #tpu.memory_space<vmem>> -> memref<1x2048xf32, #tpu.memory_space<vmem>>
    %dma_start3A_695 = tpu.memref_squeeze %dma_start3A_694 : memref<1x2048xf32, #tpu.memory_space<vmem>> -> memref<2048xf32, #tpu.memory_space<vmem>>
    %dma_start3A_696 = arith.constant 0 : i32
    %dma_start3A_697 = tpu.memref_slice %arg6[%dma_start3A_691, %dma_start3A_696] : memref<16x1000000xf32, #tpu.memory_space<hbm>> -> memref<1x1000000xf32, #tpu.memory_space<hbm>>
    %dma_start3A_698 = tpu.memref_squeeze %dma_start3A_697 : memref<1x1000000xf32, #tpu.memory_space<hbm>> -> memref<1000000xf32, #tpu.memory_space<hbm>>
    %dma_start3A_699 = arith.constant 0 : i32
    %dma_start3A_700 = tpu.memref_slice %dma_start3A_698[%dma_start3A_699] : memref<1000000xf32, #tpu.memory_space<hbm>> -> memref<1000000xf32, #tpu.memory_space<hbm>>
    tpu.enqueue_indirect_dma source(%dma_start3A_700 : memref<1000000xf32, #tpu.memory_space<hbm>>) target(%dma_start3A_695 : memref<2048xf32, #tpu.memory_space<vmem>>) offsets(%arg13 : memref<2048xi32, #tpu.memory_space<vmem>>) semaphore(%arg19 : memref<!tpu.dma_semaphore, #tpu.memory_space<semaphore_mem>>)
    %dma_start3A_701 = arith.constant 2 : i32
    %dma_start3A_702 = arith.constant 2 : i32
    %dma_start3A_703 = arith.constant 0 : i32
    %dma_start3A_704 = tpu.memref_slice %arg16[%dma_start3A_702, %dma_start3A_703] : memref<16x2048xf32, #tpu.memory_space<vmem>> -> memref<1x2048xf32, #tpu.memory_space<vmem>>
    %dma_start3A_705 = tpu.memref_squeeze %dma_start3A_704 : memref<1x2048xf32, #tpu.memory_space<vmem>> -> memref<2048xf32, #tpu.memory_space<vmem>>
    %dma_start3A_706 = arith.constant 0 : i32
    %dma_start3A_707 = tpu.memref_slice %arg6[%dma_start3A_701, %dma_start3A_706] : memref<16x1000000xf32, #tpu.memory_space<hbm>> -> memref<1x1000000xf32, #tpu.memory_space<hbm>>
    %dma_start3A_708 = tpu.memref_squeeze %dma_start3A_707 : memref<1x1000000xf32, #tpu.memory_space<hbm>> -> memref<1000000xf32, #tpu.memory_space<hbm>>
    %dma_start3A_709 = arith.constant 0 : i32
    %dma_start3A_710 = tpu.memref_slice %dma_start3A_708[%dma_start3A_709] : memref<1000000xf32, #tpu.memory_space<hbm>> -> memref<1000000xf32, #tpu.memory_space<hbm>>
    tpu.enqueue_indirect_dma source(%dma_start3A_710 : memref<1000000xf32, #tpu.memory_space<hbm>>) target(%dma_start3A_705 : memref<2048xf32, #tpu.memory_space<vmem>>) offsets(%arg13 : memref<2048xi32, #tpu.memory_space<vmem>>) semaphore(%arg19 : memref<!tpu.dma_semaphore, #tpu.memory_space<semaphore_mem>>)
    %dma_start3A_711 = arith.constant 3 : i32
    %dma_start3A_712 = arith.constant 3 : i32
    %dma_start3A_713 = arith.constant 0 : i32
    %dma_start3A_714 = tpu.memref_slice %arg16[%dma_start3A_712, %dma_start3A_713] : memref<16x2048xf32, #tpu.memory_space<vmem>> -> memref<1x2048xf32, #tpu.memory_space<vmem>>
    %dma_start3A_715 = tpu.memref_squeeze %dma_start3A_714 : memref<1x2048xf32, #tpu.memory_space<vmem>> -> memref<2048xf32, #tpu.memory_space<vmem>>
    %dma_start3A_716 = arith.constant 0 : i32
    %dma_start3A_717 = tpu.memref_slice %arg6[%dma_start3A_711, %dma_start3A_716] : memref<16x1000000xf32, #tpu.memory_space<hbm>> -> memref<1x1000000xf32, #tpu.memory_space<hbm>>
    %dma_start3A_718 = tpu.memref_squeeze %dma_start3A_717 : memref<1x1000000xf32, #tpu.memory_space<hbm>> -> memref<1000000xf32, #tpu.memory_space<hbm>>
    %dma_start3A_719 = arith.constant 0 : i32
    %dma_start3A_720 = tpu.memref_slice %dma_start3A_718[%dma_start3A_719] : memref<1000000xf32, #tpu.memory_space<hbm>> -> memref<1000000xf32, #tpu.memory_space<hbm>>
    tpu.enqueue_indirect_dma source(%dma_start3A_720 : memref<1000000xf32, #tpu.memory_space<hbm>>) target(%dma_start3A_715 : memref<2048xf32, #tpu.memory_space<vmem>>) offsets(%arg13 : memref<2048xi32, #tpu.memory_space<vmem>>) semaphore(%arg19 : memref<!tpu.dma_semaphore, #tpu.memory_space<semaphore_mem>>)
    %dma_start3A_721 = arith.constant 4 : i32
    %dma_start3A_722 = arith.constant 4 : i32
    %dma_start3A_723 = arith.constant 0 : i32
    %dma_start3A_724 = tpu.memref_slice %arg16[%dma_start3A_722, %dma_start3A_723] : memref<16x2048xf32, #tpu.memory_space<vmem>> -> memref<1x2048xf32, #tpu.memory_space<vmem>>
    %dma_start3A_725 = tpu.memref_squeeze %dma_start3A_724 : memref<1x2048xf32, #tpu.memory_space<vmem>> -> memref<2048xf32, #tpu.memory_space<vmem>>
    %dma_start3A_726 = arith.constant 0 : i32
    %dma_start3A_727 = tpu.memref_slice %arg6[%dma_start3A_721, %dma_start3A_726] : memref<16x1000000xf32, #tpu.memory_space<hbm>> -> memref<1x1000000xf32, #tpu.memory_space<hbm>>
    %dma_start3A_728 = tpu.memref_squeeze %dma_start3A_727 : memref<1x1000000xf32, #tpu.memory_space<hbm>> -> memref<1000000xf32, #tpu.memory_space<hbm>>
    %dma_start3A_729 = arith.constant 0 : i32
    %dma_start3A_730 = tpu.memref_slice %dma_start3A_728[%dma_start3A_729] : memref<1000000xf32, #tpu.memory_space<hbm>> -> memref<1000000xf32, #tpu.memory_space<hbm>>
    tpu.enqueue_indirect_dma source(%dma_start3A_730 : memref<1000000xf32, #tpu.memory_space<hbm>>) target(%dma_start3A_725 : memref<2048xf32, #tpu.memory_space<vmem>>) offsets(%arg13 : memref<2048xi32, #tpu.memory_space<vmem>>) semaphore(%arg19 : memref<!tpu.dma_semaphore, #tpu.memory_space<semaphore_mem>>)
    %dma_start3A_731 = arith.constant 5 : i32
    %dma_start3A_732 = arith.constant 5 : i32
    %dma_start3A_733 = arith.constant 0 : i32
    %dma_start3A_734 = tpu.memref_slice %arg16[%dma_start3A_732, %dma_start3A_733] : memref<16x2048xf32, #tpu.memory_space<vmem>> -> memref<1x2048xf32, #tpu.memory_space<vmem>>
    %dma_start3A_735 = tpu.memref_squeeze %dma_start3A_734 : memref<1x2048xf32, #tpu.memory_space<vmem>> -> memref<2048xf32, #tpu.memory_space<vmem>>
    %dma_start3A_736 = arith.constant 0 : i32
    %dma_start3A_737 = tpu.memref_slice %arg6[%dma_start3A_731, %dma_start3A_736] : memref<16x1000000xf32, #tpu.memory_space<hbm>> -> memref<1x1000000xf32, #tpu.memory_space<hbm>>
    %dma_start3A_738 = tpu.memref_squeeze %dma_start3A_737 : memref<1x1000000xf32, #tpu.memory_space<hbm>> -> memref<1000000xf32, #tpu.memory_space<hbm>>
    %dma_start3A_739 = arith.constant 0 : i32
    %dma_start3A_740 = tpu.memref_slice %dma_start3A_738[%dma_start3A_739] : memref<1000000xf32, #tpu.memory_space<hbm>> -> memref<1000000xf32, #tpu.memory_space<hbm>>
    tpu.enqueue_indirect_dma source(%dma_start3A_740 : memref<1000000xf32, #tpu.memory_space<hbm>>) target(%dma_start3A_735 : memref<2048xf32, #tpu.memory_space<vmem>>) offsets(%arg13 : memref<2048xi32, #tpu.memory_space<vmem>>) semaphore(%arg19 : memref<!tpu.dma_semaphore, #tpu.memory_space<semaphore_mem>>)
    %dma_start3A_741 = arith.constant 6 : i32
    %dma_start3A_742 = arith.constant 6 : i32
    %dma_start3A_743 = arith.constant 0 : i32
    %dma_start3A_744 = tpu.memref_slice %arg16[%dma_start3A_742, %dma_start3A_743] : memref<16x2048xf32, #tpu.memory_space<vmem>> -> memref<1x2048xf32, #tpu.memory_space<vmem>>
    %dma_start3A_745 = tpu.memref_squeeze %dma_start3A_744 : memref<1x2048xf32, #tpu.memory_space<vmem>> -> memref<2048xf32, #tpu.memory_space<vmem>>
    %dma_start3A_746 = arith.constant 0 : i32
    %dma_start3A_747 = tpu.memref_slice %arg6[%dma_start3A_741, %dma_start3A_746] : memref<16x1000000xf32, #tpu.memory_space<hbm>> -> memref<1x1000000xf32, #tpu.memory_space<hbm>>
    %dma_start3A_748 = tpu.memref_squeeze %dma_start3A_747 : memref<1x1000000xf32, #tpu.memory_space<hbm>> -> memref<1000000xf32, #tpu.memory_space<hbm>>
    %dma_start3A_749 = arith.constant 0 : i32
    %dma_start3A_750 = tpu.memref_slice %dma_start3A_748[%dma_start3A_749] : memref<1000000xf32, #tpu.memory_space<hbm>> -> memref<1000000xf32, #tpu.memory_space<hbm>>
    tpu.enqueue_indirect_dma source(%dma_start3A_750 : memref<1000000xf32, #tpu.memory_space<hbm>>) target(%dma_start3A_745 : memref<2048xf32, #tpu.memory_space<vmem>>) offsets(%arg13 : memref<2048xi32, #tpu.memory_space<vmem>>) semaphore(%arg19 : memref<!tpu.dma_semaphore, #tpu.memory_space<semaphore_mem>>)
    %dma_start3A_751 = arith.constant 7 : i32
    %dma_start3A_752 = arith.constant 7 : i32
    %dma_start3A_753 = arith.constant 0 : i32
    %dma_start3A_754 = tpu.memref_slice %arg16[%dma_start3A_752, %dma_start3A_753] : memref<16x2048xf32, #tpu.memory_space<vmem>> -> memref<1x2048xf32, #tpu.memory_space<vmem>>
    %dma_start3A_755 = tpu.memref_squeeze %dma_start3A_754 : memref<1x2048xf32, #tpu.memory_space<vmem>> -> memref<2048xf32, #tpu.memory_space<vmem>>
    %dma_start3A_756 = arith.constant 0 : i32
    %dma_start3A_757 = tpu.memref_slice %arg6[%dma_start3A_751, %dma_start3A_756] : memref<16x1000000xf32, #tpu.memory_space<hbm>> -> memref<1x1000000xf32, #tpu.memory_space<hbm>>
    %dma_start3A_758 = tpu.memref_squeeze %dma_start3A_757 : memref<1x1000000xf32, #tpu.memory_space<hbm>> -> memref<1000000xf32, #tpu.memory_space<hbm>>
    %dma_start3A_759 = arith.constant 0 : i32
    %dma_start3A_760 = tpu.memref_slice %dma_start3A_758[%dma_start3A_759] : memref<1000000xf32, #tpu.memory_space<hbm>> -> memref<1000000xf32, #tpu.memory_space<hbm>>
    tpu.enqueue_indirect_dma source(%dma_start3A_760 : memref<1000000xf32, #tpu.memory_space<hbm>>) target(%dma_start3A_755 : memref<2048xf32, #tpu.memory_space<vmem>>) offsets(%arg13 : memref<2048xi32, #tpu.memory_space<vmem>>) semaphore(%arg19 : memref<!tpu.dma_semaphore, #tpu.memory_space<semaphore_mem>>)
    %dma_start3A_761 = arith.constant 8 : i32
    %dma_start3A_762 = arith.constant 8 : i32
    %dma_start3A_763 = arith.constant 0 : i32
    %dma_start3A_764 = tpu.memref_slice %arg16[%dma_start3A_762, %dma_start3A_763] : memref<16x2048xf32, #tpu.memory_space<vmem>> -> memref<1x2048xf32, #tpu.memory_space<vmem>>
    %dma_start3A_765 = tpu.memref_squeeze %dma_start3A_764 : memref<1x2048xf32, #tpu.memory_space<vmem>> -> memref<2048xf32, #tpu.memory_space<vmem>>
    %dma_start3A_766 = arith.constant 0 : i32
    %dma_start3A_767 = tpu.memref_slice %arg6[%dma_start3A_761, %dma_start3A_766] : memref<16x1000000xf32, #tpu.memory_space<hbm>> -> memref<1x1000000xf32, #tpu.memory_space<hbm>>
    %dma_start3A_768 = tpu.memref_squeeze %dma_start3A_767 : memref<1x1000000xf32, #tpu.memory_space<hbm>> -> memref<1000000xf32, #tpu.memory_space<hbm>>
    %dma_start3A_769 = arith.constant 0 : i32
    %dma_start3A_770 = tpu.memref_slice %dma_start3A_768[%dma_start3A_769] : memref<1000000xf32, #tpu.memory_space<hbm>> -> memref<1000000xf32, #tpu.memory_space<hbm>>
    tpu.enqueue_indirect_dma source(%dma_start3A_770 : memref<1000000xf32, #tpu.memory_space<hbm>>) target(%dma_start3A_765 : memref<2048xf32, #tpu.memory_space<vmem>>) offsets(%arg13 : memref<2048xi32, #tpu.memory_space<vmem>>) semaphore(%arg19 : memref<!tpu.dma_semaphore, #tpu.memory_space<semaphore_mem>>)
    %dma_start3A_771 = arith.constant 9 : i32
    %dma_start3A_772 = arith.constant 9 : i32
    %dma_start3A_773 = arith.constant 0 : i32
    %dma_start3A_774 = tpu.memref_slice %arg16[%dma_start3A_772, %dma_start3A_773] : memref<16x2048xf32, #tpu.memory_space<vmem>> -> memref<1x2048xf32, #tpu.memory_space<vmem>>
    %dma_start3A_775 = tpu.memref_squeeze %dma_start3A_774 : memref<1x2048xf32, #tpu.memory_space<vmem>> -> memref<2048xf32, #tpu.memory_space<vmem>>
    %dma_start3A_776 = arith.constant 0 : i32
    %dma_start3A_777 = tpu.memref_slice %arg6[%dma_start3A_771, %dma_start3A_776] : memref<16x1000000xf32, #tpu.memory_space<hbm>> -> memref<1x1000000xf32, #tpu.memory_space<hbm>>
    %dma_start3A_778 = tpu.memref_squeeze %dma_start3A_777 : memref<1x1000000xf32, #tpu.memory_space<hbm>> -> memref<1000000xf32, #tpu.memory_space<hbm>>
    %dma_start3A_779 = arith.constant 0 : i32
    %dma_start3A_780 = tpu.memref_slice %dma_start3A_778[%dma_start3A_779] : memref<1000000xf32, #tpu.memory_space<hbm>> -> memref<1000000xf32, #tpu.memory_space<hbm>>
    tpu.enqueue_indirect_dma source(%dma_start3A_780 : memref<1000000xf32, #tpu.memory_space<hbm>>) target(%dma_start3A_775 : memref<2048xf32, #tpu.memory_space<vmem>>) offsets(%arg13 : memref<2048xi32, #tpu.memory_space<vmem>>) semaphore(%arg19 : memref<!tpu.dma_semaphore, #tpu.memory_space<semaphore_mem>>)
    %dma_start3A_781 = arith.constant 10 : i32
    %dma_start3A_782 = arith.constant 10 : i32
    %dma_start3A_783 = arith.constant 0 : i32
    %dma_start3A_784 = tpu.memref_slice %arg16[%dma_start3A_782, %dma_start3A_783] : memref<16x2048xf32, #tpu.memory_space<vmem>> -> memref<1x2048xf32, #tpu.memory_space<vmem>>
    %dma_start3A_785 = tpu.memref_squeeze %dma_start3A_784 : memref<1x2048xf32, #tpu.memory_space<vmem>> -> memref<2048xf32, #tpu.memory_space<vmem>>
    %dma_start3A_786 = arith.constant 0 : i32
    %dma_start3A_787 = tpu.memref_slice %arg6[%dma_start3A_781, %dma_start3A_786] : memref<16x1000000xf32, #tpu.memory_space<hbm>> -> memref<1x1000000xf32, #tpu.memory_space<hbm>>
    %dma_start3A_788 = tpu.memref_squeeze %dma_start3A_787 : memref<1x1000000xf32, #tpu.memory_space<hbm>> -> memref<1000000xf32, #tpu.memory_space<hbm>>
    %dma_start3A_789 = arith.constant 0 : i32
    %dma_start3A_790 = tpu.memref_slice %dma_start3A_788[%dma_start3A_789] : memref<1000000xf32, #tpu.memory_space<hbm>> -> memref<1000000xf32, #tpu.memory_space<hbm>>
    tpu.enqueue_indirect_dma source(%dma_start3A_790 : memref<1000000xf32, #tpu.memory_space<hbm>>) target(%dma_start3A_785 : memref<2048xf32, #tpu.memory_space<vmem>>) offsets(%arg13 : memref<2048xi32, #tpu.memory_space<vmem>>) semaphore(%arg19 : memref<!tpu.dma_semaphore, #tpu.memory_space<semaphore_mem>>)
    %dma_start3A_791 = arith.constant 11 : i32
    %dma_start3A_792 = arith.constant 11 : i32
    %dma_start3A_793 = arith.constant 0 : i32
    %dma_start3A_794 = tpu.memref_slice %arg16[%dma_start3A_792, %dma_start3A_793] : memref<16x2048xf32, #tpu.memory_space<vmem>> -> memref<1x2048xf32, #tpu.memory_space<vmem>>
    %dma_start3A_795 = tpu.memref_squeeze %dma_start3A_794 : memref<1x2048xf32, #tpu.memory_space<vmem>> -> memref<2048xf32, #tpu.memory_space<vmem>>
    %dma_start3A_796 = arith.constant 0 : i32
    %dma_start3A_797 = tpu.memref_slice %arg6[%dma_start3A_791, %dma_start3A_796] : memref<16x1000000xf32, #tpu.memory_space<hbm>> -> memref<1x1000000xf32, #tpu.memory_space<hbm>>
    %dma_start3A_798 = tpu.memref_squeeze %dma_start3A_797 : memref<1x1000000xf32, #tpu.memory_space<hbm>> -> memref<1000000xf32, #tpu.memory_space<hbm>>
    %dma_start3A_799 = arith.constant 0 : i32
    %dma_start3A_800 = tpu.memref_slice %dma_start3A_798[%dma_start3A_799] : memref<1000000xf32, #tpu.memory_space<hbm>> -> memref<1000000xf32, #tpu.memory_space<hbm>>
    tpu.enqueue_indirect_dma source(%dma_start3A_800 : memref<1000000xf32, #tpu.memory_space<hbm>>) target(%dma_start3A_795 : memref<2048xf32, #tpu.memory_space<vmem>>) offsets(%arg13 : memref<2048xi32, #tpu.memory_space<vmem>>) semaphore(%arg19 : memref<!tpu.dma_semaphore, #tpu.memory_space<semaphore_mem>>)
    %dma_start3A_801 = arith.constant 12 : i32
    %dma_start3A_802 = arith.constant 12 : i32
    %dma_start3A_803 = arith.constant 0 : i32
    %dma_start3A_804 = tpu.memref_slice %arg16[%dma_start3A_802, %dma_start3A_803] : memref<16x2048xf32, #tpu.memory_space<vmem>> -> memref<1x2048xf32, #tpu.memory_space<vmem>>
    %dma_start3A_805 = tpu.memref_squeeze %dma_start3A_804 : memref<1x2048xf32, #tpu.memory_space<vmem>> -> memref<2048xf32, #tpu.memory_space<vmem>>
    %dma_start3A_806 = arith.constant 0 : i32
    %dma_start3A_807 = tpu.memref_slice %arg6[%dma_start3A_801, %dma_start3A_806] : memref<16x1000000xf32, #tpu.memory_space<hbm>> -> memref<1x1000000xf32, #tpu.memory_space<hbm>>
    %dma_start3A_808 = tpu.memref_squeeze %dma_start3A_807 : memref<1x1000000xf32, #tpu.memory_space<hbm>> -> memref<1000000xf32, #tpu.memory_space<hbm>>
    %dma_start3A_809 = arith.constant 0 : i32
    %dma_start3A_810 = tpu.memref_slice %dma_start3A_808[%dma_start3A_809] : memref<1000000xf32, #tpu.memory_space<hbm>> -> memref<1000000xf32, #tpu.memory_space<hbm>>
    tpu.enqueue_indirect_dma source(%dma_start3A_810 : memref<1000000xf32, #tpu.memory_space<hbm>>) target(%dma_start3A_805 : memref<2048xf32, #tpu.memory_space<vmem>>) offsets(%arg13 : memref<2048xi32, #tpu.memory_space<vmem>>) semaphore(%arg19 : memref<!tpu.dma_semaphore, #tpu.memory_space<semaphore_mem>>)
    %dma_start3A_811 = arith.constant 13 : i32
    %dma_start3A_812 = arith.constant 13 : i32
    %dma_start3A_813 = arith.constant 0 : i32
    %dma_start3A_814 = tpu.memref_slice %arg16[%dma_start3A_812, %dma_start3A_813] : memref<16x2048xf32, #tpu.memory_space<vmem>> -> memref<1x2048xf32, #tpu.memory_space<vmem>>
    %dma_start3A_815 = tpu.memref_squeeze %dma_start3A_814 : memref<1x2048xf32, #tpu.memory_space<vmem>> -> memref<2048xf32, #tpu.memory_space<vmem>>
    %dma_start3A_816 = arith.constant 0 : i32
    %dma_start3A_817 = tpu.memref_slice %arg6[%dma_start3A_811, %dma_start3A_816] : memref<16x1000000xf32, #tpu.memory_space<hbm>> -> memref<1x1000000xf32, #tpu.memory_space<hbm>>
    %dma_start3A_818 = tpu.memref_squeeze %dma_start3A_817 : memref<1x1000000xf32, #tpu.memory_space<hbm>> -> memref<1000000xf32, #tpu.memory_space<hbm>>
    %dma_start3A_819 = arith.constant 0 : i32
    %dma_start3A_820 = tpu.memref_slice %dma_start3A_818[%dma_start3A_819] : memref<1000000xf32, #tpu.memory_space<hbm>> -> memref<1000000xf32, #tpu.memory_space<hbm>>
    tpu.enqueue_indirect_dma source(%dma_start3A_820 : memref<1000000xf32, #tpu.memory_space<hbm>>) target(%dma_start3A_815 : memref<2048xf32, #tpu.memory_space<vmem>>) offsets(%arg13 : memref<2048xi32, #tpu.memory_space<vmem>>) semaphore(%arg19 : memref<!tpu.dma_semaphore, #tpu.memory_space<semaphore_mem>>)
    %dma_start3A_821 = arith.constant 14 : i32
    %dma_start3A_822 = arith.constant 14 : i32
    %dma_start3A_823 = arith.constant 0 : i32
    %dma_start3A_824 = tpu.memref_slice %arg16[%dma_start3A_822, %dma_start3A_823] : memref<16x2048xf32, #tpu.memory_space<vmem>> -> memref<1x2048xf32, #tpu.memory_space<vmem>>
    %dma_start3A_825 = tpu.memref_squeeze %dma_start3A_824 : memref<1x2048xf32, #tpu.memory_space<vmem>> -> memref<2048xf32, #tpu.memory_space<vmem>>
    %dma_start3A_826 = arith.constant 0 : i32
    %dma_start3A_827 = tpu.memref_slice %arg6[%dma_start3A_821, %dma_start3A_826] : memref<16x1000000xf32, #tpu.memory_space<hbm>> -> memref<1x1000000xf32, #tpu.memory_space<hbm>>
    %dma_start3A_828 = tpu.memref_squeeze %dma_start3A_827 : memref<1x1000000xf32, #tpu.memory_space<hbm>> -> memref<1000000xf32, #tpu.memory_space<hbm>>
    %dma_start3A_829 = arith.constant 0 : i32
    %dma_start3A_830 = tpu.memref_slice %dma_start3A_828[%dma_start3A_829] : memref<1000000xf32, #tpu.memory_space<hbm>> -> memref<1000000xf32, #tpu.memory_space<hbm>>
    tpu.enqueue_indirect_dma source(%dma_start3A_830 : memref<1000000xf32, #tpu.memory_space<hbm>>) target(%dma_start3A_825 : memref<2048xf32, #tpu.memory_space<vmem>>) offsets(%arg13 : memref<2048xi32, #tpu.memory_space<vmem>>) semaphore(%arg19 : memref<!tpu.dma_semaphore, #tpu.memory_space<semaphore_mem>>)
    %dma_start3A_831 = arith.constant 15 : i32
    %dma_start3A_832 = arith.constant 15 : i32
    %dma_start3A_833 = arith.constant 0 : i32
    %dma_start3A_834 = tpu.memref_slice %arg16[%dma_start3A_832, %dma_start3A_833] : memref<16x2048xf32, #tpu.memory_space<vmem>> -> memref<1x2048xf32, #tpu.memory_space<vmem>>
    %dma_start3A_835 = tpu.memref_squeeze %dma_start3A_834 : memref<1x2048xf32, #tpu.memory_space<vmem>> -> memref<2048xf32, #tpu.memory_space<vmem>>
    %dma_start3A_836 = arith.constant 0 : i32
    %dma_start3A_837 = tpu.memref_slice %arg6[%dma_start3A_831, %dma_start3A_836] : memref<16x1000000xf32, #tpu.memory_space<hbm>> -> memref<1x1000000xf32, #tpu.memory_space<hbm>>
    %dma_start3A_838 = tpu.memref_squeeze %dma_start3A_837 : memref<1x1000000xf32, #tpu.memory_space<hbm>> -> memref<1000000xf32, #tpu.memory_space<hbm>>
    %dma_start3A_839 = arith.constant 0 : i32
    %dma_start3A_840 = tpu.memref_slice %dma_start3A_838[%dma_start3A_839] : memref<1000000xf32, #tpu.memory_space<hbm>> -> memref<1000000xf32, #tpu.memory_space<hbm>>
    tpu.enqueue_indirect_dma source(%dma_start3A_840 : memref<1000000xf32, #tpu.memory_space<hbm>>) target(%dma_start3A_835 : memref<2048xf32, #tpu.memory_space<vmem>>) offsets(%arg13 : memref<2048xi32, #tpu.memory_space<vmem>>) semaphore(%arg19 : memref<!tpu.dma_semaphore, #tpu.memory_space<semaphore_mem>>)
    %dma_wait3A_841 = arith.constant 0 : i32
    %dma_wait3A_842 = arith.constant 0 : i32
    %dma_wait3A_843 = arith.constant 0 : i32
    %dma_wait3A_844 = tpu.memref_slice %arg16[%dma_wait3A_842, %dma_wait3A_843] : memref<16x2048xf32, #tpu.memory_space<vmem>> -> memref<1x2048xf32, #tpu.memory_space<vmem>>
    %dma_wait3A_845 = tpu.memref_squeeze %dma_wait3A_844 : memref<1x2048xf32, #tpu.memory_space<vmem>> -> memref<2048xf32, #tpu.memory_space<vmem>>
    %dma_wait3A_846 = arith.constant 0 : i32
    %dma_wait3A_847 = tpu.memref_slice %arg6[%dma_wait3A_841, %dma_wait3A_846] : memref<16x1000000xf32, #tpu.memory_space<hbm>> -> memref<1x1000000xf32, #tpu.memory_space<hbm>>
    %dma_wait3A_848 = tpu.memref_squeeze %dma_wait3A_847 : memref<1x1000000xf32, #tpu.memory_space<hbm>> -> memref<1000000xf32, #tpu.memory_space<hbm>>
    %dma_wait3A_849 = arith.constant 0 : i32
    %dma_wait3A_850 = tpu.memref_slice %dma_wait3A_848[%dma_wait3A_849] : memref<1000000xf32, #tpu.memory_space<hbm>> -> memref<1000000xf32, #tpu.memory_space<hbm>>
    tpu.wait_indirect_dma semaphore(%arg19 : memref<!tpu.dma_semaphore, #tpu.memory_space<semaphore_mem>>) src(%dma_wait3A_850 : memref<1000000xf32, #tpu.memory_space<hbm>>) dst(%dma_wait3A_845 : memref<2048xf32, #tpu.memory_space<vmem>>)
    %dma_wait3A_851 = arith.constant 1 : i32
    %dma_wait3A_852 = arith.constant 1 : i32
    %dma_wait3A_853 = arith.constant 0 : i32
    %dma_wait3A_854 = tpu.memref_slice %arg16[%dma_wait3A_852, %dma_wait3A_853] : memref<16x2048xf32, #tpu.memory_space<vmem>> -> memref<1x2048xf32, #tpu.memory_space<vmem>>
    %dma_wait3A_855 = tpu.memref_squeeze %dma_wait3A_854 : memref<1x2048xf32, #tpu.memory_space<vmem>> -> memref<2048xf32, #tpu.memory_space<vmem>>
    %dma_wait3A_856 = arith.constant 0 : i32
    %dma_wait3A_857 = tpu.memref_slice %arg6[%dma_wait3A_851, %dma_wait3A_856] : memref<16x1000000xf32, #tpu.memory_space<hbm>> -> memref<1x1000000xf32, #tpu.memory_space<hbm>>
    %dma_wait3A_858 = tpu.memref_squeeze %dma_wait3A_857 : memref<1x1000000xf32, #tpu.memory_space<hbm>> -> memref<1000000xf32, #tpu.memory_space<hbm>>
    %dma_wait3A_859 = arith.constant 0 : i32
    %dma_wait3A_860 = tpu.memref_slice %dma_wait3A_858[%dma_wait3A_859] : memref<1000000xf32, #tpu.memory_space<hbm>> -> memref<1000000xf32, #tpu.memory_space<hbm>>
    tpu.wait_indirect_dma semaphore(%arg19 : memref<!tpu.dma_semaphore, #tpu.memory_space<semaphore_mem>>) src(%dma_wait3A_860 : memref<1000000xf32, #tpu.memory_space<hbm>>) dst(%dma_wait3A_855 : memref<2048xf32, #tpu.memory_space<vmem>>)
    %dma_wait3A_861 = arith.constant 2 : i32
    %dma_wait3A_862 = arith.constant 2 : i32
    %dma_wait3A_863 = arith.constant 0 : i32
    %dma_wait3A_864 = tpu.memref_slice %arg16[%dma_wait3A_862, %dma_wait3A_863] : memref<16x2048xf32, #tpu.memory_space<vmem>> -> memref<1x2048xf32, #tpu.memory_space<vmem>>
    %dma_wait3A_865 = tpu.memref_squeeze %dma_wait3A_864 : memref<1x2048xf32, #tpu.memory_space<vmem>> -> memref<2048xf32, #tpu.memory_space<vmem>>
    %dma_wait3A_866 = arith.constant 0 : i32
    %dma_wait3A_867 = tpu.memref_slice %arg6[%dma_wait3A_861, %dma_wait3A_866] : memref<16x1000000xf32, #tpu.memory_space<hbm>> -> memref<1x1000000xf32, #tpu.memory_space<hbm>>
    %dma_wait3A_868 = tpu.memref_squeeze %dma_wait3A_867 : memref<1x1000000xf32, #tpu.memory_space<hbm>> -> memref<1000000xf32, #tpu.memory_space<hbm>>
    %dma_wait3A_869 = arith.constant 0 : i32
    %dma_wait3A_870 = tpu.memref_slice %dma_wait3A_868[%dma_wait3A_869] : memref<1000000xf32, #tpu.memory_space<hbm>> -> memref<1000000xf32, #tpu.memory_space<hbm>>
    tpu.wait_indirect_dma semaphore(%arg19 : memref<!tpu.dma_semaphore, #tpu.memory_space<semaphore_mem>>) src(%dma_wait3A_870 : memref<1000000xf32, #tpu.memory_space<hbm>>) dst(%dma_wait3A_865 : memref<2048xf32, #tpu.memory_space<vmem>>)
    %dma_wait3A_871 = arith.constant 3 : i32
    %dma_wait3A_872 = arith.constant 3 : i32
    %dma_wait3A_873 = arith.constant 0 : i32
    %dma_wait3A_874 = tpu.memref_slice %arg16[%dma_wait3A_872, %dma_wait3A_873] : memref<16x2048xf32, #tpu.memory_space<vmem>> -> memref<1x2048xf32, #tpu.memory_space<vmem>>
    %dma_wait3A_875 = tpu.memref_squeeze %dma_wait3A_874 : memref<1x2048xf32, #tpu.memory_space<vmem>> -> memref<2048xf32, #tpu.memory_space<vmem>>
    %dma_wait3A_876 = arith.constant 0 : i32
    %dma_wait3A_877 = tpu.memref_slice %arg6[%dma_wait3A_871, %dma_wait3A_876] : memref<16x1000000xf32, #tpu.memory_space<hbm>> -> memref<1x1000000xf32, #tpu.memory_space<hbm>>
    %dma_wait3A_878 = tpu.memref_squeeze %dma_wait3A_877 : memref<1x1000000xf32, #tpu.memory_space<hbm>> -> memref<1000000xf32, #tpu.memory_space<hbm>>
    %dma_wait3A_879 = arith.constant 0 : i32
    %dma_wait3A_880 = tpu.memref_slice %dma_wait3A_878[%dma_wait3A_879] : memref<1000000xf32, #tpu.memory_space<hbm>> -> memref<1000000xf32, #tpu.memory_space<hbm>>
    tpu.wait_indirect_dma semaphore(%arg19 : memref<!tpu.dma_semaphore, #tpu.memory_space<semaphore_mem>>) src(%dma_wait3A_880 : memref<1000000xf32, #tpu.memory_space<hbm>>) dst(%dma_wait3A_875 : memref<2048xf32, #tpu.memory_space<vmem>>)
    %dma_wait3A_881 = arith.constant 4 : i32
    %dma_wait3A_882 = arith.constant 4 : i32
    %dma_wait3A_883 = arith.constant 0 : i32
    %dma_wait3A_884 = tpu.memref_slice %arg16[%dma_wait3A_882, %dma_wait3A_883] : memref<16x2048xf32, #tpu.memory_space<vmem>> -> memref<1x2048xf32, #tpu.memory_space<vmem>>
    %dma_wait3A_885 = tpu.memref_squeeze %dma_wait3A_884 : memref<1x2048xf32, #tpu.memory_space<vmem>> -> memref<2048xf32, #tpu.memory_space<vmem>>
    %dma_wait3A_886 = arith.constant 0 : i32
    %dma_wait3A_887 = tpu.memref_slice %arg6[%dma_wait3A_881, %dma_wait3A_886] : memref<16x1000000xf32, #tpu.memory_space<hbm>> -> memref<1x1000000xf32, #tpu.memory_space<hbm>>
    %dma_wait3A_888 = tpu.memref_squeeze %dma_wait3A_887 : memref<1x1000000xf32, #tpu.memory_space<hbm>> -> memref<1000000xf32, #tpu.memory_space<hbm>>
    %dma_wait3A_889 = arith.constant 0 : i32
    %dma_wait3A_890 = tpu.memref_slice %dma_wait3A_888[%dma_wait3A_889] : memref<1000000xf32, #tpu.memory_space<hbm>> -> memref<1000000xf32, #tpu.memory_space<hbm>>
    tpu.wait_indirect_dma semaphore(%arg19 : memref<!tpu.dma_semaphore, #tpu.memory_space<semaphore_mem>>) src(%dma_wait3A_890 : memref<1000000xf32, #tpu.memory_space<hbm>>) dst(%dma_wait3A_885 : memref<2048xf32, #tpu.memory_space<vmem>>)
    %dma_wait3A_891 = arith.constant 5 : i32
    %dma_wait3A_892 = arith.constant 5 : i32
    %dma_wait3A_893 = arith.constant 0 : i32
    %dma_wait3A_894 = tpu.memref_slice %arg16[%dma_wait3A_892, %dma_wait3A_893] : memref<16x2048xf32, #tpu.memory_space<vmem>> -> memref<1x2048xf32, #tpu.memory_space<vmem>>
    %dma_wait3A_895 = tpu.memref_squeeze %dma_wait3A_894 : memref<1x2048xf32, #tpu.memory_space<vmem>> -> memref<2048xf32, #tpu.memory_space<vmem>>
    %dma_wait3A_896 = arith.constant 0 : i32
    %dma_wait3A_897 = tpu.memref_slice %arg6[%dma_wait3A_891, %dma_wait3A_896] : memref<16x1000000xf32, #tpu.memory_space<hbm>> -> memref<1x1000000xf32, #tpu.memory_space<hbm>>
    %dma_wait3A_898 = tpu.memref_squeeze %dma_wait3A_897 : memref<1x1000000xf32, #tpu.memory_space<hbm>> -> memref<1000000xf32, #tpu.memory_space<hbm>>
    %dma_wait3A_899 = arith.constant 0 : i32
    %dma_wait3A_900 = tpu.memref_slice %dma_wait3A_898[%dma_wait3A_899] : memref<1000000xf32, #tpu.memory_space<hbm>> -> memref<1000000xf32, #tpu.memory_space<hbm>>
    tpu.wait_indirect_dma semaphore(%arg19 : memref<!tpu.dma_semaphore, #tpu.memory_space<semaphore_mem>>) src(%dma_wait3A_900 : memref<1000000xf32, #tpu.memory_space<hbm>>) dst(%dma_wait3A_895 : memref<2048xf32, #tpu.memory_space<vmem>>)
    %dma_wait3A_901 = arith.constant 6 : i32
    %dma_wait3A_902 = arith.constant 6 : i32
    %dma_wait3A_903 = arith.constant 0 : i32
    %dma_wait3A_904 = tpu.memref_slice %arg16[%dma_wait3A_902, %dma_wait3A_903] : memref<16x2048xf32, #tpu.memory_space<vmem>> -> memref<1x2048xf32, #tpu.memory_space<vmem>>
    %dma_wait3A_905 = tpu.memref_squeeze %dma_wait3A_904 : memref<1x2048xf32, #tpu.memory_space<vmem>> -> memref<2048xf32, #tpu.memory_space<vmem>>
    %dma_wait3A_906 = arith.constant 0 : i32
    %dma_wait3A_907 = tpu.memref_slice %arg6[%dma_wait3A_901, %dma_wait3A_906] : memref<16x1000000xf32, #tpu.memory_space<hbm>> -> memref<1x1000000xf32, #tpu.memory_space<hbm>>
    %dma_wait3A_908 = tpu.memref_squeeze %dma_wait3A_907 : memref<1x1000000xf32, #tpu.memory_space<hbm>> -> memref<1000000xf32, #tpu.memory_space<hbm>>
    %dma_wait3A_909 = arith.constant 0 : i32
    %dma_wait3A_910 = tpu.memref_slice %dma_wait3A_908[%dma_wait3A_909] : memref<1000000xf32, #tpu.memory_space<hbm>> -> memref<1000000xf32, #tpu.memory_space<hbm>>
    tpu.wait_indirect_dma semaphore(%arg19 : memref<!tpu.dma_semaphore, #tpu.memory_space<semaphore_mem>>) src(%dma_wait3A_910 : memref<1000000xf32, #tpu.memory_space<hbm>>) dst(%dma_wait3A_905 : memref<2048xf32, #tpu.memory_space<vmem>>)
    %dma_wait3A_911 = arith.constant 7 : i32
    %dma_wait3A_912 = arith.constant 7 : i32
    %dma_wait3A_913 = arith.constant 0 : i32
    %dma_wait3A_914 = tpu.memref_slice %arg16[%dma_wait3A_912, %dma_wait3A_913] : memref<16x2048xf32, #tpu.memory_space<vmem>> -> memref<1x2048xf32, #tpu.memory_space<vmem>>
    %dma_wait3A_915 = tpu.memref_squeeze %dma_wait3A_914 : memref<1x2048xf32, #tpu.memory_space<vmem>> -> memref<2048xf32, #tpu.memory_space<vmem>>
    %dma_wait3A_916 = arith.constant 0 : i32
    %dma_wait3A_917 = tpu.memref_slice %arg6[%dma_wait3A_911, %dma_wait3A_916] : memref<16x1000000xf32, #tpu.memory_space<hbm>> -> memref<1x1000000xf32, #tpu.memory_space<hbm>>
    %dma_wait3A_918 = tpu.memref_squeeze %dma_wait3A_917 : memref<1x1000000xf32, #tpu.memory_space<hbm>> -> memref<1000000xf32, #tpu.memory_space<hbm>>
    %dma_wait3A_919 = arith.constant 0 : i32
    %dma_wait3A_920 = tpu.memref_slice %dma_wait3A_918[%dma_wait3A_919] : memref<1000000xf32, #tpu.memory_space<hbm>> -> memref<1000000xf32, #tpu.memory_space<hbm>>
    tpu.wait_indirect_dma semaphore(%arg19 : memref<!tpu.dma_semaphore, #tpu.memory_space<semaphore_mem>>) src(%dma_wait3A_920 : memref<1000000xf32, #tpu.memory_space<hbm>>) dst(%dma_wait3A_915 : memref<2048xf32, #tpu.memory_space<vmem>>)
    %dma_wait3A_921 = arith.constant 8 : i32
    %dma_wait3A_922 = arith.constant 8 : i32
    %dma_wait3A_923 = arith.constant 0 : i32
    %dma_wait3A_924 = tpu.memref_slice %arg16[%dma_wait3A_922, %dma_wait3A_923] : memref<16x2048xf32, #tpu.memory_space<vmem>> -> memref<1x2048xf32, #tpu.memory_space<vmem>>
    %dma_wait3A_925 = tpu.memref_squeeze %dma_wait3A_924 : memref<1x2048xf32, #tpu.memory_space<vmem>> -> memref<2048xf32, #tpu.memory_space<vmem>>
    %dma_wait3A_926 = arith.constant 0 : i32
    %dma_wait3A_927 = tpu.memref_slice %arg6[%dma_wait3A_921, %dma_wait3A_926] : memref<16x1000000xf32, #tpu.memory_space<hbm>> -> memref<1x1000000xf32, #tpu.memory_space<hbm>>
    %dma_wait3A_928 = tpu.memref_squeeze %dma_wait3A_927 : memref<1x1000000xf32, #tpu.memory_space<hbm>> -> memref<1000000xf32, #tpu.memory_space<hbm>>
    %dma_wait3A_929 = arith.constant 0 : i32
    %dma_wait3A_930 = tpu.memref_slice %dma_wait3A_928[%dma_wait3A_929] : memref<1000000xf32, #tpu.memory_space<hbm>> -> memref<1000000xf32, #tpu.memory_space<hbm>>
    tpu.wait_indirect_dma semaphore(%arg19 : memref<!tpu.dma_semaphore, #tpu.memory_space<semaphore_mem>>) src(%dma_wait3A_930 : memref<1000000xf32, #tpu.memory_space<hbm>>) dst(%dma_wait3A_925 : memref<2048xf32, #tpu.memory_space<vmem>>)
    %dma_wait3A_931 = arith.constant 9 : i32
    %dma_wait3A_932 = arith.constant 9 : i32
    %dma_wait3A_933 = arith.constant 0 : i32
    %dma_wait3A_934 = tpu.memref_slice %arg16[%dma_wait3A_932, %dma_wait3A_933] : memref<16x2048xf32, #tpu.memory_space<vmem>> -> memref<1x2048xf32, #tpu.memory_space<vmem>>
    %dma_wait3A_935 = tpu.memref_squeeze %dma_wait3A_934 : memref<1x2048xf32, #tpu.memory_space<vmem>> -> memref<2048xf32, #tpu.memory_space<vmem>>
    %dma_wait3A_936 = arith.constant 0 : i32
    %dma_wait3A_937 = tpu.memref_slice %arg6[%dma_wait3A_931, %dma_wait3A_936] : memref<16x1000000xf32, #tpu.memory_space<hbm>> -> memref<1x1000000xf32, #tpu.memory_space<hbm>>
    %dma_wait3A_938 = tpu.memref_squeeze %dma_wait3A_937 : memref<1x1000000xf32, #tpu.memory_space<hbm>> -> memref<1000000xf32, #tpu.memory_space<hbm>>
    %dma_wait3A_939 = arith.constant 0 : i32
    %dma_wait3A_940 = tpu.memref_slice %dma_wait3A_938[%dma_wait3A_939] : memref<1000000xf32, #tpu.memory_space<hbm>> -> memref<1000000xf32, #tpu.memory_space<hbm>>
    tpu.wait_indirect_dma semaphore(%arg19 : memref<!tpu.dma_semaphore, #tpu.memory_space<semaphore_mem>>) src(%dma_wait3A_940 : memref<1000000xf32, #tpu.memory_space<hbm>>) dst(%dma_wait3A_935 : memref<2048xf32, #tpu.memory_space<vmem>>)
    %dma_wait3A_941 = arith.constant 10 : i32
    %dma_wait3A_942 = arith.constant 10 : i32
    %dma_wait3A_943 = arith.constant 0 : i32
    %dma_wait3A_944 = tpu.memref_slice %arg16[%dma_wait3A_942, %dma_wait3A_943] : memref<16x2048xf32, #tpu.memory_space<vmem>> -> memref<1x2048xf32, #tpu.memory_space<vmem>>
    %dma_wait3A_945 = tpu.memref_squeeze %dma_wait3A_944 : memref<1x2048xf32, #tpu.memory_space<vmem>> -> memref<2048xf32, #tpu.memory_space<vmem>>
    %dma_wait3A_946 = arith.constant 0 : i32
    %dma_wait3A_947 = tpu.memref_slice %arg6[%dma_wait3A_941, %dma_wait3A_946] : memref<16x1000000xf32, #tpu.memory_space<hbm>> -> memref<1x1000000xf32, #tpu.memory_space<hbm>>
    %dma_wait3A_948 = tpu.memref_squeeze %dma_wait3A_947 : memref<1x1000000xf32, #tpu.memory_space<hbm>> -> memref<1000000xf32, #tpu.memory_space<hbm>>
    %dma_wait3A_949 = arith.constant 0 : i32
    %dma_wait3A_950 = tpu.memref_slice %dma_wait3A_948[%dma_wait3A_949] : memref<1000000xf32, #tpu.memory_space<hbm>> -> memref<1000000xf32, #tpu.memory_space<hbm>>
    tpu.wait_indirect_dma semaphore(%arg19 : memref<!tpu.dma_semaphore, #tpu.memory_space<semaphore_mem>>) src(%dma_wait3A_950 : memref<1000000xf32, #tpu.memory_space<hbm>>) dst(%dma_wait3A_945 : memref<2048xf32, #tpu.memory_space<vmem>>)
    %dma_wait3A_951 = arith.constant 11 : i32
    %dma_wait3A_952 = arith.constant 11 : i32
    %dma_wait3A_953 = arith.constant 0 : i32
    %dma_wait3A_954 = tpu.memref_slice %arg16[%dma_wait3A_952, %dma_wait3A_953] : memref<16x2048xf32, #tpu.memory_space<vmem>> -> memref<1x2048xf32, #tpu.memory_space<vmem>>
    %dma_wait3A_955 = tpu.memref_squeeze %dma_wait3A_954 : memref<1x2048xf32, #tpu.memory_space<vmem>> -> memref<2048xf32, #tpu.memory_space<vmem>>
    %dma_wait3A_956 = arith.constant 0 : i32
    %dma_wait3A_957 = tpu.memref_slice %arg6[%dma_wait3A_951, %dma_wait3A_956] : memref<16x1000000xf32, #tpu.memory_space<hbm>> -> memref<1x1000000xf32, #tpu.memory_space<hbm>>
    %dma_wait3A_958 = tpu.memref_squeeze %dma_wait3A_957 : memref<1x1000000xf32, #tpu.memory_space<hbm>> -> memref<1000000xf32, #tpu.memory_space<hbm>>
    %dma_wait3A_959 = arith.constant 0 : i32
    %dma_wait3A_960 = tpu.memref_slice %dma_wait3A_958[%dma_wait3A_959] : memref<1000000xf32, #tpu.memory_space<hbm>> -> memref<1000000xf32, #tpu.memory_space<hbm>>
    tpu.wait_indirect_dma semaphore(%arg19 : memref<!tpu.dma_semaphore, #tpu.memory_space<semaphore_mem>>) src(%dma_wait3A_960 : memref<1000000xf32, #tpu.memory_space<hbm>>) dst(%dma_wait3A_955 : memref<2048xf32, #tpu.memory_space<vmem>>)
    %dma_wait3A_961 = arith.constant 12 : i32
    %dma_wait3A_962 = arith.constant 12 : i32
    %dma_wait3A_963 = arith.constant 0 : i32
    %dma_wait3A_964 = tpu.memref_slice %arg16[%dma_wait3A_962, %dma_wait3A_963] : memref<16x2048xf32, #tpu.memory_space<vmem>> -> memref<1x2048xf32, #tpu.memory_space<vmem>>
    %dma_wait3A_965 = tpu.memref_squeeze %dma_wait3A_964 : memref<1x2048xf32, #tpu.memory_space<vmem>> -> memref<2048xf32, #tpu.memory_space<vmem>>
    %dma_wait3A_966 = arith.constant 0 : i32
    %dma_wait3A_967 = tpu.memref_slice %arg6[%dma_wait3A_961, %dma_wait3A_966] : memref<16x1000000xf32, #tpu.memory_space<hbm>> -> memref<1x1000000xf32, #tpu.memory_space<hbm>>
    %dma_wait3A_968 = tpu.memref_squeeze %dma_wait3A_967 : memref<1x1000000xf32, #tpu.memory_space<hbm>> -> memref<1000000xf32, #tpu.memory_space<hbm>>
    %dma_wait3A_969 = arith.constant 0 : i32
    %dma_wait3A_970 = tpu.memref_slice %dma_wait3A_968[%dma_wait3A_969] : memref<1000000xf32, #tpu.memory_space<hbm>> -> memref<1000000xf32, #tpu.memory_space<hbm>>
    tpu.wait_indirect_dma semaphore(%arg19 : memref<!tpu.dma_semaphore, #tpu.memory_space<semaphore_mem>>) src(%dma_wait3A_970 : memref<1000000xf32, #tpu.memory_space<hbm>>) dst(%dma_wait3A_965 : memref<2048xf32, #tpu.memory_space<vmem>>)
    %dma_wait3A_971 = arith.constant 13 : i32
    %dma_wait3A_972 = arith.constant 13 : i32
    %dma_wait3A_973 = arith.constant 0 : i32
    %dma_wait3A_974 = tpu.memref_slice %arg16[%dma_wait3A_972, %dma_wait3A_973] : memref<16x2048xf32, #tpu.memory_space<vmem>> -> memref<1x2048xf32, #tpu.memory_space<vmem>>
    %dma_wait3A_975 = tpu.memref_squeeze %dma_wait3A_974 : memref<1x2048xf32, #tpu.memory_space<vmem>> -> memref<2048xf32, #tpu.memory_space<vmem>>
    %dma_wait3A_976 = arith.constant 0 : i32
    %dma_wait3A_977 = tpu.memref_slice %arg6[%dma_wait3A_971, %dma_wait3A_976] : memref<16x1000000xf32, #tpu.memory_space<hbm>> -> memref<1x1000000xf32, #tpu.memory_space<hbm>>
    %dma_wait3A_978 = tpu.memref_squeeze %dma_wait3A_977 : memref<1x1000000xf32, #tpu.memory_space<hbm>> -> memref<1000000xf32, #tpu.memory_space<hbm>>
    %dma_wait3A_979 = arith.constant 0 : i32
    %dma_wait3A_980 = tpu.memref_slice %dma_wait3A_978[%dma_wait3A_979] : memref<1000000xf32, #tpu.memory_space<hbm>> -> memref<1000000xf32, #tpu.memory_space<hbm>>
    tpu.wait_indirect_dma semaphore(%arg19 : memref<!tpu.dma_semaphore, #tpu.memory_space<semaphore_mem>>) src(%dma_wait3A_980 : memref<1000000xf32, #tpu.memory_space<hbm>>) dst(%dma_wait3A_975 : memref<2048xf32, #tpu.memory_space<vmem>>)
    %dma_wait3A_981 = arith.constant 14 : i32
    %dma_wait3A_982 = arith.constant 14 : i32
    %dma_wait3A_983 = arith.constant 0 : i32
    %dma_wait3A_984 = tpu.memref_slice %arg16[%dma_wait3A_982, %dma_wait3A_983] : memref<16x2048xf32, #tpu.memory_space<vmem>> -> memref<1x2048xf32, #tpu.memory_space<vmem>>
    %dma_wait3A_985 = tpu.memref_squeeze %dma_wait3A_984 : memref<1x2048xf32, #tpu.memory_space<vmem>> -> memref<2048xf32, #tpu.memory_space<vmem>>
    %dma_wait3A_986 = arith.constant 0 : i32
    %dma_wait3A_987 = tpu.memref_slice %arg6[%dma_wait3A_981, %dma_wait3A_986] : memref<16x1000000xf32, #tpu.memory_space<hbm>> -> memref<1x1000000xf32, #tpu.memory_space<hbm>>
    %dma_wait3A_988 = tpu.memref_squeeze %dma_wait3A_987 : memref<1x1000000xf32, #tpu.memory_space<hbm>> -> memref<1000000xf32, #tpu.memory_space<hbm>>
    %dma_wait3A_989 = arith.constant 0 : i32
    %dma_wait3A_990 = tpu.memref_slice %dma_wait3A_988[%dma_wait3A_989] : memref<1000000xf32, #tpu.memory_space<hbm>> -> memref<1000000xf32, #tpu.memory_space<hbm>>
    tpu.wait_indirect_dma semaphore(%arg19 : memref<!tpu.dma_semaphore, #tpu.memory_space<semaphore_mem>>) src(%dma_wait3A_990 : memref<1000000xf32, #tpu.memory_space<hbm>>) dst(%dma_wait3A_985 : memref<2048xf32, #tpu.memory_space<vmem>>)
    %dma_wait3A_991 = arith.constant 15 : i32
    %dma_wait3A_992 = arith.constant 15 : i32
    %dma_wait3A_993 = arith.constant 0 : i32
    %dma_wait3A_994 = tpu.memref_slice %arg16[%dma_wait3A_992, %dma_wait3A_993] : memref<16x2048xf32, #tpu.memory_space<vmem>> -> memref<1x2048xf32, #tpu.memory_space<vmem>>
    %dma_wait3A_995 = tpu.memref_squeeze %dma_wait3A_994 : memref<1x2048xf32, #tpu.memory_space<vmem>> -> memref<2048xf32, #tpu.memory_space<vmem>>
    %dma_wait3A_996 = arith.constant 0 : i32
    %dma_wait3A_997 = tpu.memref_slice %arg6[%dma_wait3A_991, %dma_wait3A_996] : memref<16x1000000xf32, #tpu.memory_space<hbm>> -> memref<1x1000000xf32, #tpu.memory_space<hbm>>
    %dma_wait3A_998 = tpu.memref_squeeze %dma_wait3A_997 : memref<1x1000000xf32, #tpu.memory_space<hbm>> -> memref<1000000xf32, #tpu.memory_space<hbm>>
    %dma_wait3A_999 = arith.constant 0 : i32
    %dma_wait3A_1000 = tpu.memref_slice %dma_wait3A_998[%dma_wait3A_999] : memref<1000000xf32, #tpu.memory_space<hbm>> -> memref<1000000xf32, #tpu.memory_space<hbm>>
    tpu.wait_indirect_dma semaphore(%arg19 : memref<!tpu.dma_semaphore, #tpu.memory_space<semaphore_mem>>) src(%dma_wait3A_1000 : memref<1000000xf32, #tpu.memory_space<hbm>>) dst(%dma_wait3A_995 : memref<2048xf32, #tpu.memory_space<vmem>>)
    "tpu.region"() ({
      %run_scoped3A = tpu.sem_alloc : memref<!tpu.dma_semaphore, #tpu.memory_space<semaphore_mem>>
      %dma_start3A_1001 = arith.constant 0 : i32
      %dma_start3A_1002 = tpu.memref_slice %arg9[%select_n3A, %dma_start3A_1001, %mul3A_34] : memref<4x16x16384xf32, #tpu.memory_space<hbm>> -> memref<1x16x2048xf32, #tpu.memory_space<hbm>>
      %dma_start3A_1003 = tpu.memref_squeeze %dma_start3A_1002 : memref<1x16x2048xf32, #tpu.memory_space<hbm>> -> memref<16x2048xf32, #tpu.memory_space<hbm>>
      %dma_start3A_1004 = arith.constant 0 : i32
      %dma_start3A_1005 = tpu.memref_slice %arg9[%select_n3A, %dma_start3A_1004, %mul3A_34] : memref<4x16x16384xf32, #tpu.memory_space<hbm>> -> memref<1x16x2048xf32, #tpu.memory_space<hbm>>
      %dma_start3A_1006 = tpu.memref_squeeze %dma_start3A_1005 : memref<1x16x2048xf32, #tpu.memory_space<hbm>> -> memref<16x2048xf32, #tpu.memory_space<hbm>>
      tpu.enqueue_dma source(%arg16 : memref<16x2048xf32, #tpu.memory_space<vmem>>) target(%dma_start3A_1006 : memref<16x2048xf32, #tpu.memory_space<hbm>>) target_semaphore(%run_scoped3A : memref<!tpu.dma_semaphore, #tpu.memory_space<semaphore_mem>>)
      %dma_wait3A_1007 = arith.constant 0 : i32
      %dma_wait3A_1008 = tpu.memref_slice %arg9[%select_n3A, %dma_wait3A_1007, %mul3A_34] : memref<4x16x16384xf32, #tpu.memory_space<hbm>> -> memref<1x16x2048xf32, #tpu.memory_space<hbm>>
      %dma_wait3A_1009 = tpu.memref_squeeze %dma_wait3A_1008 : memref<1x16x2048xf32, #tpu.memory_space<hbm>> -> memref<16x2048xf32, #tpu.memory_space<hbm>>
      %dma_wait3A_1010 = arith.constant 0 : i32
      %dma_wait3A_1011 = tpu.memref_slice %arg9[%select_n3A, %dma_wait3A_1010, %mul3A_34] : memref<4x16x16384xf32, #tpu.memory_space<hbm>> -> memref<1x16x2048xf32, #tpu.memory_space<hbm>>
      %dma_wait3A_1012 = tpu.memref_squeeze %dma_wait3A_1011 : memref<1x16x2048xf32, #tpu.memory_space<hbm>> -> memref<16x2048xf32, #tpu.memory_space<hbm>>
      tpu.wait_dma2 semaphore(%run_scoped3A : memref<!tpu.dma_semaphore, #tpu.memory_space<semaphore_mem>>) src(%arg16 : memref<16x2048xf32, #tpu.memory_space<vmem>>) dst(%dma_wait3A_1012 : memref<16x2048xf32, #tpu.memory_space<hbm>>)
      tpu.yield
    }) : () -> ()
    return
  }
}

module attributes {stable_mosaic.version = 14 : i64} {
  func.func @_tc_loss_body(%arg0: memref<16x16384xf32, #tpu.memory_space<vmem>>, %arg1: memref<16x16384xf32, #tpu.memory_space<vmem>>, %arg2: memref<4x16x16384xf32, #tpu.memory_space<vmem>>, %arg3: memref<1x1xf32, #tpu.memory_space<smem>>) attributes {dimension_semantics = [], scalar_prefetch = 0 : i64, scratch_operands = 0 : i64, tpu.core_type = #tpu.core_type<tc>} {
    %get3A = arith.constant 0 : index
    %get3A_0 = arith.constant 0 : index
    %get3A_1 = vector.load %arg0[%get3A, %get3A_0] : memref<16x16384xf32, #tpu.memory_space<vmem>>, vector<16x16384xf32>
    %mul3A = arith.mulf %get3A_1, %get3A_1 : vector<16x16384xf32>
    %reduce_sum3A = arith.constant dense<0.000000e+00> : vector<16384xf32>
    %reduce_sum3A_2 = vector.multi_reduction <add>, %mul3A, %reduce_sum3A [0] : vector<16x16384xf32> to vector<16384xf32>
    %broadcast_in_dim3A = vector.shape_cast %reduce_sum3A_2 : vector<16384xf32> to vector<1x16384xf32>
    %sqrt3A = math.sqrt %broadcast_in_dim3A : vector<1x16384xf32>
    %get3A_3 = arith.constant 0 : index
    %get3A_4 = arith.constant 0 : index
    %get3A_5 = vector.load %arg1[%get3A_3, %get3A_4] : memref<16x16384xf32, #tpu.memory_space<vmem>>, vector<16x16384xf32>
    %mul3A_6 = arith.mulf %get3A_1, %get3A_5 : vector<16x16384xf32>
    %reduce_sum3A_7 = arith.constant dense<0.000000e+00> : vector<16384xf32>
    %reduce_sum3A_8 = vector.multi_reduction <add>, %mul3A_6, %reduce_sum3A_7 [0] : vector<16x16384xf32> to vector<16384xf32>
    %broadcast_in_dim3A_9 = vector.shape_cast %reduce_sum3A_8 : vector<16384xf32> to vector<1x16384xf32>
    %mul3A_10 = arith.mulf %get3A_5, %get3A_5 : vector<16x16384xf32>
    %reduce_sum3A_11 = arith.constant dense<0.000000e+00> : vector<16384xf32>
    %reduce_sum3A_12 = vector.multi_reduction <add>, %mul3A_10, %reduce_sum3A_11 [0] : vector<16x16384xf32> to vector<16384xf32>
    %broadcast_in_dim3A_13 = vector.shape_cast %reduce_sum3A_12 : vector<16384xf32> to vector<1x16384xf32>
    %sqrt3A_14 = math.sqrt %broadcast_in_dim3A_13 : vector<1x16384xf32>
    %mul3A_15 = arith.mulf %sqrt3A_14, %sqrt3A : vector<1x16384xf32>
    %add3A = arith.constant 9.99999997E-7 : f32
    %add3A_16 = vector.broadcast %add3A : f32 to vector<1x16384xf32>
    %add3A_17 = arith.addf %mul3A_15, %add3A_16 : vector<1x16384xf32>
    %div3A = arith.divf %broadcast_in_dim3A_9, %add3A_17 : vector<1x16384xf32>
    %add3A_18 = arith.constant 1.000000e+00 : f32
    %add3A_19 = vector.broadcast %add3A_18 : f32 to vector<1x16384xf32>
    %add3A_20 = arith.addf %div3A, %add3A_19 : vector<1x16384xf32>
    %mul3A_21 = arith.constant 5.000000e-01 : f32
    %mul3A_22 = vector.broadcast %mul3A_21 : f32 to vector<1x16384xf32>
    %mul3A_23 = arith.mulf %add3A_20, %mul3A_22 : vector<1x16384xf32>
    %add3A_24 = arith.constant 9.99999997E-7 : f32
    %add3A_25 = vector.broadcast %add3A_24 : f32 to vector<1x16384xf32>
    %add3A_26 = arith.addf %mul3A_23, %add3A_25 : vector<1x16384xf32>
    %log3A = math.log %add3A_26 : vector<1x16384xf32>
    %get3A_27 = arith.constant 0 : index
    %get3A_28 = arith.constant 0 : index
    %get3A_29 = arith.constant 0 : index
    %get3A_30 = vector.load %arg2[%get3A_27, %get3A_28, %get3A_29] : memref<4x16x16384xf32, #tpu.memory_space<vmem>>, vector<1x16x16384xf32>
    %get3A_31 = vector.shape_cast %get3A_30 : vector<1x16x16384xf32> to vector<16x16384xf32>
    %mul3A_32 = arith.mulf %get3A_1, %get3A_31 : vector<16x16384xf32>
    %reduce_sum3A_33 = arith.constant dense<0.000000e+00> : vector<16384xf32>
    %reduce_sum3A_34 = vector.multi_reduction <add>, %mul3A_32, %reduce_sum3A_33 [0] : vector<16x16384xf32> to vector<16384xf32>
    %broadcast_in_dim3A_35 = vector.shape_cast %reduce_sum3A_34 : vector<16384xf32> to vector<1x16384xf32>
    %mul3A_36 = arith.mulf %get3A_31, %get3A_31 : vector<16x16384xf32>
    %reduce_sum3A_37 = arith.constant dense<0.000000e+00> : vector<16384xf32>
    %reduce_sum3A_38 = vector.multi_reduction <add>, %mul3A_36, %reduce_sum3A_37 [0] : vector<16x16384xf32> to vector<16384xf32>
    %broadcast_in_dim3A_39 = vector.shape_cast %reduce_sum3A_38 : vector<16384xf32> to vector<1x16384xf32>
    %sqrt3A_40 = math.sqrt %broadcast_in_dim3A_39 : vector<1x16384xf32>
    %mul3A_41 = arith.mulf %sqrt3A_40, %sqrt3A : vector<1x16384xf32>
    %add3A_42 = arith.constant 9.99999997E-7 : f32
    %add3A_43 = vector.broadcast %add3A_42 : f32 to vector<1x16384xf32>
    %add3A_44 = arith.addf %mul3A_41, %add3A_43 : vector<1x16384xf32>
    %div3A_45 = arith.divf %broadcast_in_dim3A_35, %add3A_44 : vector<1x16384xf32>
    %add3A_46 = arith.constant 1.000000e+00 : f32
    %add3A_47 = vector.broadcast %add3A_46 : f32 to vector<1x16384xf32>
    %add3A_48 = arith.addf %div3A_45, %add3A_47 : vector<1x16384xf32>
    %mul3A_49 = arith.constant 5.000000e-01 : f32
    %mul3A_50 = vector.broadcast %mul3A_49 : f32 to vector<1x16384xf32>
    %mul3A_51 = arith.mulf %add3A_48, %mul3A_50 : vector<1x16384xf32>
    %sub3A = arith.constant 1.000000e+00 : f32
    %sub3A_52 = vector.broadcast %sub3A : f32 to vector<1x16384xf32>
    %sub3A_53 = arith.subf %sub3A_52, %mul3A_51 : vector<1x16384xf32>
    %add3A_54 = arith.constant 9.99999997E-7 : f32
    %add3A_55 = vector.broadcast %add3A_54 : f32 to vector<1x16384xf32>
    %add3A_56 = arith.addf %sub3A_53, %add3A_55 : vector<1x16384xf32>
    %log3A_57 = math.log %add3A_56 : vector<1x16384xf32>
    %add3A_58 = arith.addf %log3A, %log3A_57 : vector<1x16384xf32>
    %get3A_59 = arith.constant 1 : index
    %get3A_60 = arith.constant 0 : index
    %get3A_61 = arith.constant 0 : index
    %get3A_62 = vector.load %arg2[%get3A_59, %get3A_60, %get3A_61] : memref<4x16x16384xf32, #tpu.memory_space<vmem>>, vector<1x16x16384xf32>
    %get3A_63 = vector.shape_cast %get3A_62 : vector<1x16x16384xf32> to vector<16x16384xf32>
    %mul3A_64 = arith.mulf %get3A_1, %get3A_63 : vector<16x16384xf32>
    %reduce_sum3A_65 = arith.constant dense<0.000000e+00> : vector<16384xf32>
    %reduce_sum3A_66 = vector.multi_reduction <add>, %mul3A_64, %reduce_sum3A_65 [0] : vector<16x16384xf32> to vector<16384xf32>
    %broadcast_in_dim3A_67 = vector.shape_cast %reduce_sum3A_66 : vector<16384xf32> to vector<1x16384xf32>
    %mul3A_68 = arith.mulf %get3A_63, %get3A_63 : vector<16x16384xf32>
    %reduce_sum3A_69 = arith.constant dense<0.000000e+00> : vector<16384xf32>
    %reduce_sum3A_70 = vector.multi_reduction <add>, %mul3A_68, %reduce_sum3A_69 [0] : vector<16x16384xf32> to vector<16384xf32>
    %broadcast_in_dim3A_71 = vector.shape_cast %reduce_sum3A_70 : vector<16384xf32> to vector<1x16384xf32>
    %sqrt3A_72 = math.sqrt %broadcast_in_dim3A_71 : vector<1x16384xf32>
    %mul3A_73 = arith.mulf %sqrt3A_72, %sqrt3A : vector<1x16384xf32>
    %add3A_74 = arith.constant 9.99999997E-7 : f32
    %add3A_75 = vector.broadcast %add3A_74 : f32 to vector<1x16384xf32>
    %add3A_76 = arith.addf %mul3A_73, %add3A_75 : vector<1x16384xf32>
    %div3A_77 = arith.divf %broadcast_in_dim3A_67, %add3A_76 : vector<1x16384xf32>
    %add3A_78 = arith.constant 1.000000e+00 : f32
    %add3A_79 = vector.broadcast %add3A_78 : f32 to vector<1x16384xf32>
    %add3A_80 = arith.addf %div3A_77, %add3A_79 : vector<1x16384xf32>
    %mul3A_81 = arith.constant 5.000000e-01 : f32
    %mul3A_82 = vector.broadcast %mul3A_81 : f32 to vector<1x16384xf32>
    %mul3A_83 = arith.mulf %add3A_80, %mul3A_82 : vector<1x16384xf32>
    %sub3A_84 = arith.constant 1.000000e+00 : f32
    %sub3A_85 = vector.broadcast %sub3A_84 : f32 to vector<1x16384xf32>
    %sub3A_86 = arith.subf %sub3A_85, %mul3A_83 : vector<1x16384xf32>
    %add3A_87 = arith.constant 9.99999997E-7 : f32
    %add3A_88 = vector.broadcast %add3A_87 : f32 to vector<1x16384xf32>
    %add3A_89 = arith.addf %sub3A_86, %add3A_88 : vector<1x16384xf32>
    %log3A_90 = math.log %add3A_89 : vector<1x16384xf32>
    %add3A_91 = arith.addf %add3A_58, %log3A_90 : vector<1x16384xf32>
    %get3A_92 = arith.constant 2 : index
    %get3A_93 = arith.constant 0 : index
    %get3A_94 = arith.constant 0 : index
    %get3A_95 = vector.load %arg2[%get3A_92, %get3A_93, %get3A_94] : memref<4x16x16384xf32, #tpu.memory_space<vmem>>, vector<1x16x16384xf32>
    %get3A_96 = vector.shape_cast %get3A_95 : vector<1x16x16384xf32> to vector<16x16384xf32>
    %mul3A_97 = arith.mulf %get3A_1, %get3A_96 : vector<16x16384xf32>
    %reduce_sum3A_98 = arith.constant dense<0.000000e+00> : vector<16384xf32>
    %reduce_sum3A_99 = vector.multi_reduction <add>, %mul3A_97, %reduce_sum3A_98 [0] : vector<16x16384xf32> to vector<16384xf32>
    %broadcast_in_dim3A_100 = vector.shape_cast %reduce_sum3A_99 : vector<16384xf32> to vector<1x16384xf32>
    %mul3A_101 = arith.mulf %get3A_96, %get3A_96 : vector<16x16384xf32>
    %reduce_sum3A_102 = arith.constant dense<0.000000e+00> : vector<16384xf32>
    %reduce_sum3A_103 = vector.multi_reduction <add>, %mul3A_101, %reduce_sum3A_102 [0] : vector<16x16384xf32> to vector<16384xf32>
    %broadcast_in_dim3A_104 = vector.shape_cast %reduce_sum3A_103 : vector<16384xf32> to vector<1x16384xf32>
    %sqrt3A_105 = math.sqrt %broadcast_in_dim3A_104 : vector<1x16384xf32>
    %mul3A_106 = arith.mulf %sqrt3A_105, %sqrt3A : vector<1x16384xf32>
    %add3A_107 = arith.constant 9.99999997E-7 : f32
    %add3A_108 = vector.broadcast %add3A_107 : f32 to vector<1x16384xf32>
    %add3A_109 = arith.addf %mul3A_106, %add3A_108 : vector<1x16384xf32>
    %div3A_110 = arith.divf %broadcast_in_dim3A_100, %add3A_109 : vector<1x16384xf32>
    %add3A_111 = arith.constant 1.000000e+00 : f32
    %add3A_112 = vector.broadcast %add3A_111 : f32 to vector<1x16384xf32>
    %add3A_113 = arith.addf %div3A_110, %add3A_112 : vector<1x16384xf32>
    %mul3A_114 = arith.constant 5.000000e-01 : f32
    %mul3A_115 = vector.broadcast %mul3A_114 : f32 to vector<1x16384xf32>
    %mul3A_116 = arith.mulf %add3A_113, %mul3A_115 : vector<1x16384xf32>
    %sub3A_117 = arith.constant 1.000000e+00 : f32
    %sub3A_118 = vector.broadcast %sub3A_117 : f32 to vector<1x16384xf32>
    %sub3A_119 = arith.subf %sub3A_118, %mul3A_116 : vector<1x16384xf32>
    %add3A_120 = arith.constant 9.99999997E-7 : f32
    %add3A_121 = vector.broadcast %add3A_120 : f32 to vector<1x16384xf32>
    %add3A_122 = arith.addf %sub3A_119, %add3A_121 : vector<1x16384xf32>
    %log3A_123 = math.log %add3A_122 : vector<1x16384xf32>
    %add3A_124 = arith.addf %add3A_91, %log3A_123 : vector<1x16384xf32>
    %get3A_125 = arith.constant 3 : index
    %get3A_126 = arith.constant 0 : index
    %get3A_127 = arith.constant 0 : index
    %get3A_128 = vector.load %arg2[%get3A_125, %get3A_126, %get3A_127] : memref<4x16x16384xf32, #tpu.memory_space<vmem>>, vector<1x16x16384xf32>
    %get3A_129 = vector.shape_cast %get3A_128 : vector<1x16x16384xf32> to vector<16x16384xf32>
    %mul3A_130 = arith.mulf %get3A_1, %get3A_129 : vector<16x16384xf32>
    %reduce_sum3A_131 = arith.constant dense<0.000000e+00> : vector<16384xf32>
    %reduce_sum3A_132 = vector.multi_reduction <add>, %mul3A_130, %reduce_sum3A_131 [0] : vector<16x16384xf32> to vector<16384xf32>
    %broadcast_in_dim3A_133 = vector.shape_cast %reduce_sum3A_132 : vector<16384xf32> to vector<1x16384xf32>
    %mul3A_134 = arith.mulf %get3A_129, %get3A_129 : vector<16x16384xf32>
    %reduce_sum3A_135 = arith.constant dense<0.000000e+00> : vector<16384xf32>
    %reduce_sum3A_136 = vector.multi_reduction <add>, %mul3A_134, %reduce_sum3A_135 [0] : vector<16x16384xf32> to vector<16384xf32>
    %broadcast_in_dim3A_137 = vector.shape_cast %reduce_sum3A_136 : vector<16384xf32> to vector<1x16384xf32>
    %sqrt3A_138 = math.sqrt %broadcast_in_dim3A_137 : vector<1x16384xf32>
    %mul3A_139 = arith.mulf %sqrt3A_138, %sqrt3A : vector<1x16384xf32>
    %add3A_140 = arith.constant 9.99999997E-7 : f32
    %add3A_141 = vector.broadcast %add3A_140 : f32 to vector<1x16384xf32>
    %add3A_142 = arith.addf %mul3A_139, %add3A_141 : vector<1x16384xf32>
    %div3A_143 = arith.divf %broadcast_in_dim3A_133, %add3A_142 : vector<1x16384xf32>
    %add3A_144 = arith.constant 1.000000e+00 : f32
    %add3A_145 = vector.broadcast %add3A_144 : f32 to vector<1x16384xf32>
    %add3A_146 = arith.addf %div3A_143, %add3A_145 : vector<1x16384xf32>
    %mul3A_147 = arith.constant 5.000000e-01 : f32
    %mul3A_148 = vector.broadcast %mul3A_147 : f32 to vector<1x16384xf32>
    %mul3A_149 = arith.mulf %add3A_146, %mul3A_148 : vector<1x16384xf32>
    %sub3A_150 = arith.constant 1.000000e+00 : f32
    %sub3A_151 = vector.broadcast %sub3A_150 : f32 to vector<1x16384xf32>
    %sub3A_152 = arith.subf %sub3A_151, %mul3A_149 : vector<1x16384xf32>
    %add3A_153 = arith.constant 9.99999997E-7 : f32
    %add3A_154 = vector.broadcast %add3A_153 : f32 to vector<1x16384xf32>
    %add3A_155 = arith.addf %sub3A_152, %add3A_154 : vector<1x16384xf32>
    %log3A_156 = math.log %add3A_155 : vector<1x16384xf32>
    %add3A_157 = arith.addf %add3A_124, %log3A_156 : vector<1x16384xf32>
    %reduce_sum3A_158 = vector.shape_cast %add3A_157 : vector<1x16384xf32> to vector<1x1x16384xf32>
    %reduce_sum3A_159 = arith.constant dense<0.000000e+00> : vector<1xf32>
    %reduce_sum3A_160 = vector.multi_reduction <add>, %reduce_sum3A_158, %reduce_sum3A_159 [1, 2] : vector<1x1x16384xf32> to vector<1xf32>
    %reduce_sum3A_161 = vector.shape_cast %reduce_sum3A_160 : vector<1xf32> to vector<1x1x1xf32>
    %reduce_sum3A_162 = vector.extract %reduce_sum3A_161[0, 0, 0] : f32 from vector<1x1x1xf32>
    %neg3A = arith.constant 0.000000e+00 : f32
    %neg3A_163 = arith.subf %neg3A, %reduce_sum3A_162 : f32
    %div3A_164 = arith.constant 1.638400e+04 : f32
    %div3A_165 = arith.divf %neg3A_163, %div3A_164 : f32
    %swap3A = arith.constant 0 : index
    %swap3A_166 = arith.constant 0 : index
    %swap3A_167 = memref.load %arg3[%swap3A, %swap3A_166] : memref<1x1xf32, #tpu.memory_space<smem>>
    memref.store %div3A_165, %arg3[%swap3A, %swap3A_166] : memref<1x1xf32, #tpu.memory_space<smem>>
    return
  }
}

</mosaic_0001>

<sc_bundles>
// kernel: kernel.4.cloned.1.call-start
scs
__scs_entry_jumppad:
0x0: {  	(pc) =	sbr.rel $0x88, $3  }
0x1: {  	(tag) =	ssettag $0x0;
	lr =	simm.s32 $0x1  }
0x2: {  	[smem:$0x3F9C] =	sst lr;
	_ =	strace $0xD0000000  }
0x3: {  	_ = 	snop  }
0x4: {  	_ = 	snop  }
0x5: {  	_ = 	snop  }
0x6: {  	_ = 	snop  }
0x7: {  	_ = 	snop  }
__scs_overlays_trampoline_lowered:
0x8: {  	[smem:$0x3FAB] =	sst s0  }
0x9: {  	[smem:$0x3FAC] =	sst s1  }
0xa: {  	[smem:$0x3FAD] =	sst s2  }
0xb: {  	[smem:$0x3FAE] =	sst s3  }
0xc: {  	[smem:$0x3FAF] =	sst s4  }
0xd: {  	[smem:$0x3FB0] =	sst s5  }
0xe: {  	[smem:$0x3FB1] =	sst s6  }
0xf: {  	[smem:$0x3FB2] =	sst s7  }
0x10: {  	[smem:$0x3FB3] =	sst s8  }
0x11: {  	[smem:$0x3FB4] =	sst s9;
	s0 =	simm.s32 @!p0 $0x0  }
0x12: {  	s1 =	sld [smem:$0x3F9A];
	s0 =	simm.s32 @p0 $0x1  }
0x13: {  	[smem:$0x3FB5] =	sst s0;
	s0 =	simm.s32 @!p1 $0x0  }
0x14: {  	s2 =	sld [smem:$0x3F99];
	s0 =	simm.s32 @p1 $0x1  }
0x15: {  	[smem:$0x3FB6] =	sst s0;
	s0 =	simm.s32 @!p2 $0x0  }
0x16: {  	s3 =	sld [smem:$0x3FDB];
	s0 =	simm.s32 @p2 $0x1  }
0x17: {  	s4 =	simm.s32 $0x1BF5;
	[smem:$0x3FB8] =	sst s0  }
0x18: {  	s0 =	sld [smem:$0x3F9B];
	_ =	swait.ge [sflag:s4], $0x0  }
0x19: {  	s7 =	sld [smem:$0x3F9C]  }
0x1a: {  	s8 =	sadd.s32 $0xFFFFE003, lr  }
0x1b: {  	s9 =	sadd.s32 $0xFFFFFEF7, lr;
	s5 =	simm.s32 $0xFFFFFFFF;
	p2 =	slt.u32 s8, $0xFFFFF086  }
0x1c: {  	p1 =	slt.u32 s9, $0xF7A;
	s5 =	simm.s32 @!p2 $0x0  }
0x1d: {  	s5 =	simm.s32 @p1 $0x1;
	p0 =	seq.s32 s7, s2  }
0x1e: {  	s7 =	smul.u32 @!p0 $0xF7A, s2;
	p2 =	seq.s32 @!p0 s5, $0x0  }
0x1f: {  	s9 =	smul.u32 $0xF7A, s1;
	s8 =	simm.s32 @!p0 $0x1BF5;
	p2 =	por !p2, p0  }
0x20: {  	[sflag:s8] =	ssyncset.s32 @!p0 $0xFFFFF086;
	s6 =	sadd.s32 @!p0 s3, s7;
	s7 =	simm.s32 @!p0 $0x108  }
0x21: {  	s3 =	sadd.s32 s3, s9;
	s6 =	sadd.s32 @!p0 $0x88, s6;
	s7 =	simm.s32 @p2 $0x1082  }
0x22: {  	[simem:s7], [sflag:s8] =	dma.local @!p0 [hbm:s6], $0xF7A  }
0x23: {  	s9 =	sor.u32 $0xD0000000, s2;
	s6 =	simm.s32 $0x108;
	_ =	swait.ge @!p0 [sflag:s8], $0x0  }
0x24: {  	s3 =	sadd.s32 $0x88, s3;
	s6 =	simm.s32 @!p1 $0x1082;
	[sflag:s4] =	ssyncset.s32 $0xFFFFF086  }
0x25: {  	[simem:s6], [sflag:s4] =	dma.local [hbm:s3], $0xF7A  }
0x26: {  	[smem:$0x3F9C] =	sst s1;
	(tag) =	ssettag s2;
	_ =	strace s9  }
0x27: {  	s1 =	sld [smem:$0x3FAC]  }
0x28: {  	s2 =	sld [smem:$0x3FAD]  }
0x29: {  	s4 =	sld [smem:$0x3FAF]  }
0x2a: {  	p0 =	seq.s32 s5, $0x0;
	s5 =	sld [smem:$0x3FB0]  }
0x2b: {  	s6 =	sld [smem:$0x3FB1]  }
0x2c: {  	s7 =	sld [smem:$0x3FB2]  }
0x2d: {  	s3 =	simm.s32 $0x108;
	s8 =	sld [smem:$0x3FB3]  }
0x2e: {  	s3 =	simm.s32 @!p0 $0x1082;
	s9 =	sld [smem:$0x3FB4]  }
0x2f: {  	lr =	sadd.s32 s0, s3;
	s0 =	sld [smem:$0x3FAB]  }
0x30: {  	s3 =	sld [smem:$0x3FAE]  }
0x31: {  	[smem:$0x3FB7] =	sst s10  }
0x32: {  	s10 =	sld [smem:$0x3FB5];
	_ =	sdelay $0x3  }
0x33: {  	p0 =	seq.s32 s10, $0x1;
	s10 =	sld [smem:$0x3FB7];
	_ =	sdelay $0x3  }
0x34: {  	[smem:$0x3FB7] =	sst s10  }
0x35: {  	s10 =	sld [smem:$0x3FB6];
	_ =	sdelay $0x3  }
0x36: {  	p1 =	seq.s32 s10, $0x1;
	s10 =	sld [smem:$0x3FB7];
	_ =	sdelay $0x3  }
0x37: {  	[smem:$0x3FB7] =	sst s10  }
0x38: {  	s10 =	sld [smem:$0x3FB8]  }
0x39: {  	_ = 	snop;
	(pc) =	sbr.ind lr, $3  }
0x3a: {  	_ = 	snop  }
0x3b: {  	_ = 	snop  }
0x3c: {  	p2 =	seq.s32 s10, $0x1;
	s10 =	sld [smem:$0x3FB7]  }
0x3d: {  	_ =	shalt  }
0x3e: {  	_ =	shalt  }
0x3f: {  	_ =	shalt  }
0x40: {  	_ =	shalt  }
0x41: {  	_ =	shalt  }
0x42: {  	_ =	shalt  }
0x43: {  	_ =	shalt  }
0x44: {  	_ =	shalt  }
0x45: {  	_ =	shalt  }
0x46: {  	_ =	shalt  }
0x47: {  	_ =	shalt  }
0x48: {  	_ =	shalt  }
0x49: {  	_ =	shalt  }
0x4a: {  	_ =	shalt  }
0x4b: {  	_ =	shalt  }
0x4c: {  	_ =	shalt  }
0x4d: {  	_ =	shalt  }
0x4e: {  	_ =	shalt  }
0x4f: {  	_ =	shalt  }
0x50: {  	_ =	shalt  }
0x51: {  	_ =	shalt  }
0x52: {  	_ =	shalt  }
0x53: {  	_ =	shalt  }
0x54: {  	_ =	shalt  }
0x55: {  	_ =	shalt  }
0x56: {  	_ =	shalt  }
0x57: {  	_ =	shalt  }
0x58: {  	_ =	shalt  }
0x59: {  	_ =	shalt  }
0x5a: {  	_ =	shalt  }
0x5b: {  	_ =	shalt  }
0x5c: {  	_ =	shalt  }
0x5d: {  	_ =	shalt  }
0x5e: {  	_ =	shalt  }
0x5f: {  	_ =	shalt  }
0x60: {  	_ =	shalt  }
0x61: {  	_ =	shalt  }
0x62: {  	_ =	shalt  }
0x63: {  	_ =	shalt  }
0x64: {  	_ =	shalt  }
0x65: {  	_ =	shalt  }
0x66: {  	_ =	shalt  }
0x67: {  	_ =	shalt  }
0x68: {  	_ =	shalt  }
0x69: {  	_ =	shalt  }
0x6a: {  	_ =	shalt  }
0x6b: {  	_ =	shalt  }
0x6c: {  	_ =	shalt  }
0x6d: {  	_ =	shalt  }
0x6e: {  	_ =	shalt  }
0x6f: {  	_ =	shalt  }
0x70: {  	_ =	shalt  }
0x71: {  	_ =	shalt  }
0x72: {  	_ =	shalt  }
0x73: {  	_ =	shalt  }
0x74: {  	_ =	shalt  }
0x75: {  	_ =	shalt  }
0x76: {  	_ =	shalt  }
0x77: {  	_ =	shalt  }
0x78: {  	_ =	shalt  }
0x79: {  	_ =	shalt  }
0x7a: {  	_ =	shalt  }
0x7b: {  	_ =	shalt  }
0x7c: {  	_ =	shalt  }
0x7d: {  	_ =	shalt  }
0x7e: {  	_ =	shalt  }
0x7f: {  	_ =	shalt  }
0x80: {  	_ =	shalt  }
0x81: {  	_ =	shalt  }
0x82: {  	_ =	shalt  }
0x83: {  	_ =	shalt  }
0x84: {  	_ =	shalt  }
0x85: {  	_ =	shalt  }
0x86: {  	_ =	shalt  }
0x87: {  	_ =	shalt  }
.Lfunc_end0:
.L_simem_size_0:
called_computation_lowered:
.L_overlay_start_0:
0x88: {  	s2 =	sld [smem:$0x3FD9]  }
0x89: {  	s3 =	sld [smem:$0x3FFE];
	_ =	sdelay $0x1  }
0x8a: {  	s1 =	srdreg.scid  }
0x8b: {  	s0 =	sand.u32 $0x1, s1  }
0x8c: {  	s17 =	sshll.u32 s0, $0xA;
	s2 =	sadd.s32 s3, s2  }
0x8d: {  	s2 =	sadd.s32 s2, s17  }
0x8e: {  	[smem:$0x3FC3] =	sst s2  }
0x8f: {  	_ = 	snop  }
0x90: {  	s2 =	sld [smem:$0x3FC9]  }
0x91: {  	s18 =	sld [smem:$0x3FC8]  }
0x92: {  	s4 =	sld [smem:$0x3FC7];
	(tm) =	ssettm $0x1  }
0x93: {  	s5 =	sld [smem:$0x3FFB];
	_ =	sdelay $0x3  }
0x94: {  	_ =	strace s5  }
0x95: {  	s5 =	sld [smem:$0x3FFC];
	_ =	sdelay $0x3  }
0x96: {  	_ =	strace s5  }
0x97: {  	s5 =	sld [smem:$0x3FFD];
	_ =	sdelay $0x3  }
0x98: {  	_ =	strace s5  }
0x99: {  	_ =	strace $0x8FFFFFFF  }
0x9a: {  	s19 =	sld [smem:$0x3FDB];
	_ =	sdelay $0x1  }
0x9b: {  	s6 =	simm.s32 $_scs_section_size  }
0x9c: {  	s7 =	simm.s32 $_size__tile_overlayer_lowered;
	s8 =	simm.s32 $_tile_overlayer_lowered  }
0x9d: {  	s22 =	simm.s32 $0x1BFF;
	s21 =	sshll.u32 s8, $0x1;
	s5 =	sadd.s32 s6, s19  }
0x9e: {  	s9 =	simm.s32 $0x0;
	s20 =	sshll.u32 s7, $0x1;
	s7 =	sadd.s32 s21, s5  }
0x9f: {  	[timem:s9], [sflag:s22] =	dma.local [hbm:s7], s20  }
0xa0: {  	_ =	swait.ge [sflag:s22], s20  }
0xa1: {  	s6 =	ssub.s32 $0x0, s20;
	[sflag:s22] =	ssyncset.done $0x0  }
0xa2: {  	[sflag:s22] =	ssyncadd.s32 s6;
	_ =	sdelay $0x1  }
0xa3: {  	s23 =	simm.s32 $0x1B8B  }
0xa4: {  	_ =	swait.ge [sflag:s23], $0x1  }
0xa5: {  	[sflag:s23] =	ssyncset.done $0x0  }
0xa6: {  	s25 =	simm.s32 $0x1B8E;
	s24 =	sld [smem:$0x3FFE];
	[sflag:s23] =	ssyncadd.s32 $0xFFFFFFFF  }
0xa7: {  	s26 =	simm.s32 $execute0_lowered;
	[smem:$0x3FD2] =	sst s25  }
0xa8: {  	s7 =	sshll.u32 s26, $0x1;
	_ =	strace $0x80000046;
	[dreg:$0x1] =	wrdreg $0xFFFFFFFF  }
0xa9: {  	s28 =	simm.s32 $_size_execute0_lowered;
	s5 =	sadd.s32 s5, s7;
	[dreg:$0x0] =	wrdreg $0x0  }
0xaa: {  	s7 =	sshll.u32 s28, $0x1;
	[dreg:$0x2] =	wrdreg s5  }
0xab: {  	[dreg:$0x3] =	wrdreg s7  }
0xac: {  	[dreg:$0x4] =	wrdreg $0xC0  }
0xad: {  	_ =	task [dreg:s9], $0x5FFFF  }
0xae: {  	[dreg:$0x1] =	wrdreg $0xFFFFFFFF  }
0xaf: {  	[dreg:$0x0] =	wrdreg $0x60  }
0xb0: {  	[dreg:$0x2] =	wrdreg s2  }
0xb1: {  	[dreg:$0x3] =	wrdreg s18  }
0xb2: {  	[dreg:$0x4] =	wrdreg s4  }
0xb3: {  	[dreg:$0x5] =	wrdreg s24  }
0xb4: {  	[dreg:$0x6] =	wrdreg $0x9  }
0xb5: {  	_ =	task.clear_ibuf [dreg:s9], $0x7FFFF;
	_ =	strace $0x90000046  }
0xb6: {  	s29 =	simm.s32 $0x9;
	_ =	strace $0x80000048  }
0xb7: {  	_ =	swait.ge [sflag:s29], $0x1  }
0xb8: {  	[sflag:s29] =	ssyncadd.s32 $0xFFFFFFFF  }
0xb9: {  	_ =	strace $0x90000048  }
0xba: {  	_ =	sfence  }
0xbb: {  	s30 =	sld [smem:$0x0];
	_ =	sdelay $0x2  }
0xbc: {  	s31 =	sshll.u32 s1, $0xD;
	s1 =	sshrl.u32 s1, $0x2  }
0xbd: {  	s3 =	sand.u32 $0x4000, s31;
	s1 =	sadd.s32 s1, s30  }
0xbe: {  	s0 =	sor.u32 s3, s0;
	s1 =	sshll.u32 s1, $0x11  }
0xbf: {  	s0 =	sor.u32 s1, s0  }
0xc0: {  	s0 =	sadd.s32 $0x8F2B, s0  }
0xc1: {  	[sflag:s0] =	ssyncadd.remote.s32 $0x1  }
0xc2: {  	_ =	sfence.sel $0xFFFF  }
0xc3: {  	[dreg:$0x0] =	wrdreg $0xFFFFFFFF;
	(pc) =	sbr.abs _section_cstart, $3  }
0xc4: {  	[dreg:$0x1] =	wrdreg $0xFFFFFFFF  }
0xc5: {  	_ =	task.clear_ibuf [dreg:s9], $0x2FFFF;
	_ =	strace $0x9FFFFFFF  }
0xc6: {  	(tm) =	ssettm $0x7FFFFFFF  }
0xc7: {  	_ =	shalt  }
tec
execute0_lowered:
.L_overlay_start_1:
0x0: {  	(tag) =	ssettag $0x1  }
0x1: {  	s1 =	rddreg [dreg:$0x0]  }
0x2: {  	s2 =	rddreg [dreg:$0x1];
	s0 =	srdreg.scid  }
0x3: {  	s5 =	stileid.u32;
	s8 =	simm.s32 $0x1;
	s4 =	sand.u32 $0x1, s0  }
0x4: {  	s0 =	rddreg [dreg:$0x3];
	s7 =	sand.u32 $0x7, s5;
	s3 =	sshll.u32 s4, $0x4  }
0x5: {  	p1 =	sne.s32 s7, $0x0;
	s6 =	sor.u32 s5, s3;
	s3 =	simm.s32 $0x0  }
0x6: {  	s17 =	sadd.s32 $0x1E8800, s0;
	s10 =	sshll.u32 s7, $0xB;
	[smem:$0x7FF] =	sst s3  }
0x7: {  	s18 =	sadd.s32 $0x207048, s0;
	_ =	strace $0x80000047;
	[dreg:$0x5] =	wrdreg s17  }
0x8: {  	s7 =	sshll.u32 s7, $0xD;
	s19 =	sadd.s32 $0x225890, s0;
	[dreg:$0x6] =	wrdreg s18  }
0x9: {  	s4 =	ssub.s32 $0x2, s4;
	s20 =	sadd.s32 $0x2440D8, s0;
	[dreg:$0x7] =	wrdreg s19  }
0xa: {  	s21 =	sadd.s32 $0x262920, s0;
	s11 =	sadd.s32 $0x281168, s0;
	[dreg:$0x8] =	wrdreg s20  }
0xb: {  	s23 =	sadd.s32 $0x29F9B0, s0;
	s24 =	sadd.s32 $0x2BE1F8, s0;
	[dreg:$0x9] =	wrdreg s21  }
0xc: {  	s25 =	sadd.s32 $0x2DCA40, s0;
	s26 =	sadd.s32 $0x2FB288, s0;
	[dreg:$0xa] =	wrdreg s11  }
0xd: {  	s12 =	sadd.s32 $0x356B60, s0;
	s13 =	sadd.s32 $0x3753A8, s0;
	[dreg:$0xb] =	wrdreg s23  }
0xe: {  	s14 =	sadd.s32 $0x393BF0, s0;
	s15 =	sadd.s32 $0x3B2438, s0;
	[dreg:$0xc] =	wrdreg s24  }
0xf: {  	s28 =	sadd.s32 $0x98B68, s0;
	s29 =	sadd.s32 $0xB73B0, s0;
	[dreg:$0xd] =	wrdreg s25  }
0x10: {  	s30 =	sadd.s32 $0xD5BF8, s0;
	s31 =	sadd.s32 $0xF4440, s0;
	[dreg:$0xf] =	wrdreg s26  }
0x11: {  	s5 =	sadd.s32 $0x200, s0;
	s22 =	sshrl.u32 s4, $0x1;
	[dreg:$0x12] =	wrdreg s12  }
0x12: {  	p0 =	seq.s32 s6, $0x0;
	s9 =	sshrl.u32 s6, $0x3;
	[dreg:$0x13] =	wrdreg s13  }
0x13: {  	s6 =	sshll.u32 s6, $0x6;
	p0 =	por !p1, !p0;
	[dreg:$0x14] =	wrdreg s14  }
0x14: {  	s1 =	sadd.s32 s1, s6;
	s11 =	sadd.s32 $0x338318, s0;
	[dreg:$0x15] =	wrdreg s15  }
0x15: {  	s23 =	sadd.s32 $0x1EA48, s0;
	s24 =	sadd.s32 $0x3D290, s0;
	s25 =	sadd.s32 $0x5BAD8, s0  }
0x16: {  	s26 =	sadd.s32 $0x7A320, s0;
	s16 =	sadd.s32 s2, s6;
	s2 =	sadd.s32 $0x1314D0, s0  }
0x17: {  	s17 =	sadd.s32 s6, s0;
	s6 =	sadd.s32 $0x16E560, s0;
	s14 =	simm.s32 $0x1  }
0x18: {  	s15 =	simm.s32 $0x4;
	p0 =	por !p0, !p0;
	[dreg:$0xe] =	wrdreg s1  }
0x19: {  	[dreg:$0x11] =	wrdreg s11;
	s1 =	sadd.s32 $0x112C88, s0;
	s18 =	sadd.s32 $0x3F8E00, s17  }
0x1a: {  	[dreg:$0x16] =	wrdreg s16;
	s20 =	sadd.s32 $0x3F0E00, s17;
	s16 =	simm.s32 $0x200  }
0x1b: {  	s17 =	simm.s32 $0x800;
	s8 =	simm.s32 @!p0 $0x0;
	[dreg:$0x17] =	wrdreg s18  }
0x1c: {  	[dreg:$0x18] =	wrdreg s20;
	s18 =	simm.s32 $0xC00;
	s8 =	ssub.s32 s9, s8  }
0x1d: {  	s20 =	simm.s32 $0x3;
	s9 =	sshll.u32 s8, $0x12;
	s8 =	sshll.u32 s8, $0x7  }
0x1e: {  	s9 =	sor.u32 s10, s9;
	s10 =	ssub.s32 s4, s22;
	s4 =	sadd.s32 $0x319AD0, s0  }
0x1f: {  	s19 =	sadd.s32 s7, s8;
	s7 =	sadd.s32 $0x18CDA8, s0;
	s8 =	sadd.s32 $0x1AB5F0, s0  }
0x20: {  	[dreg:$0x10] =	wrdreg s4;
	s4 =	sadd.s32 $0x14FD18, s0;
	s9 =	sshrl.u32 s9, $0x3  }
0x21: {  	s22 =	smax.u32 s10, $0x1;
	s10 =	simm.s32 $0x2;
	s12 =	sadd.s32 s9, s0  }
0x22: {  	s9 =	sadd.s32 $0x1C9E38, s0;
	[dreg:$0x1a] =	wrdreg s22;
	s21 =	sadd.s32 $0x3D0E00, s12  }
0x23: {  	v0 =	vlaneseq.u32;
	s22 =	simm.s32 $0x4000;
	s12 =	simm.s32 $0x0;
	[dreg:$0x19] =	wrdreg s21  }
.LBB2_1:
0x24: {  	s0 =	rddreg [dreg:$0xe]  }
0x25: {  	[tilespmem:s3], [sflag:$0x4] =	stream.linear.gather [hbm4b:s0+s3], $0x200, $0x38;
	[tilespmem:$0xD400] =	vst v63  }
0x26: {  	_ =	swait.ge [sflag:s15], $0x200  }
0x27: {  	[sflag:s15] =	ssyncset.done $0x0  }
0x28: {  	s21 =	sand.u32 $0x1E00, s3;
	s13 =	rddreg [dreg:$0x16];
	[sflag:s15] =	ssyncadd.s32 $0xFFFFFE00  }
0x29: {  	[tilespmem:s16], [sflag:$0x4] =	stream.linear.gather [hbm4b:s13+s3], $0x200, $0x38;
	[tilespmem:$0xD400] =	vst v63  }
0x2a: {  	s0 =	sadd.s32 s21, s19;
	s13 =	sand.u32 $0x70, s3;
	_ =	swait.ge [sflag:s15], $0x200  }
0x2b: {  	s21 =	simm.s32 $0x0;
	s0 =	sor.u32 s13, s0;
	[sflag:s15] =	ssyncset.done $0x0  }
0x2c: {  	s13 =	simm.s32 $0x10;
	v1 =	vor.u32 s0, v0;
	s0 =	simm.s32 $0x0;
	[sflag:s15] =	ssyncadd.s32 $0xFFFFFE00  }
.LBB2_2:
0x2d: {  	p0 =	sne.s32 s13, $0x7F0  }
0x2e: {  	[tilespmem:s0+$0x400] =	vst v1;
	s21 =	sadd.s32 $0x40, s21;
	s0 =	smov.u32 s13;
	s13 =	sadd.s32 $0x10, s13  }
.Ltmp0:
0x2f: {  	(pc) =	sbr.rel @p0 .LBB2_2-.Ltmp0, $4  }
0x30: {  	s11 =	sand.u32 $0x1E00, s21  }
0x31: {  	s0 =	sand.u32 $0x70, s0;
	s11 =	sadd.s32 s11, s19  }
0x32: {  	s0 =	sor.u32 s0, s11  }
0x33: {  	v1 =	vor.u32 s0, v0;
	s0 =	sshra.s32 s21, $0x2  }
0x34: {  	[tilespmem:s0+$0x400] =	vst v1;
	s21 =	rddreg [dreg:$0x2];
	s11 =	simm.s32 $0x400  }
0x35: {  	[tilespmem:s18], [sflag:$0x3] =	stream.indirect.gather [hbm4b:s21+s17], $0x1, s11, s17, $0xb8;
	[tilespmem:$0xD400] =	vst v63  }
0x36: {  	_ =	swait.ge [sflag:s20], $0x800  }
0x37: {  	[sflag:s20] =	ssyncset.done $0x0  }
0x38: {  	s11 =	simm.s32 $0x1400;
	s13 =	rddreg [dreg:$0x5];
	[sflag:s20] =	ssyncadd.s32 $0xFFFFF800  }
0x39: {  	[tilespmem:s11], [sflag:$0x1] =	stream.indirect.gather [hbm4b:s13+s16], $0x1, s3, s16, $0xb8;
	[tilespmem:$0xD400] =	vst v63  }
0x3a: {  	s21 =	rddreg [dreg:$0x6];
	s13 =	simm.s32 $0x1600  }
0x3b: {  	[tilespmem:s13], [sflag:$0x1] =	stream.indirect.gather [hbm4b:s21+s16], $0x1, s3, s16, $0xb8;
	[tilespmem:$0xD400] =	vst v63  }
0x3c: {  	s13 =	rddreg [dreg:$0x7];
	s21 =	simm.s32 $0x1800  }
0x3d: {  	[tilespmem:s21], [sflag:$0x1] =	stream.indirect.gather [hbm4b:s13+s16], $0x1, s3, s16, $0xb8;
	[tilespmem:$0xD400] =	vst v63  }
0x3e: {  	s13 =	rddreg [dreg:$0x8];
	s21 =	simm.s32 $0x1A00  }
0x3f: {  	[tilespmem:s21], [sflag:$0x1] =	stream.indirect.gather [hbm4b:s13+s16], $0x1, s3, s16, $0xb8;
	[tilespmem:$0xD400] =	vst v63  }
0x40: {  	s13 =	rddreg [dreg:$0x9];
	s21 =	simm.s32 $0x1C00  }
0x41: {  	[tilespmem:s21], [sflag:$0x1] =	stream.indirect.gather [hbm4b:s13+s16], $0x1, s3, s16, $0xb8;
	[tilespmem:$0xD400] =	vst v63  }
0x42: {  	s13 =	rddreg [dreg:$0xa];
	s21 =	simm.s32 $0x1E00  }
0x43: {  	[tilespmem:s21], [sflag:$0x1] =	stream.indirect.gather [hbm4b:s13+s16], $0x1, s3, s16, $0xb8;
	[tilespmem:$0xD400] =	vst v63  }
0x44: {  	s13 =	rddreg [dreg:$0xb];
	s21 =	simm.s32 $0x2000  }
0x45: {  	[tilespmem:s21], [sflag:$0x1] =	stream.indirect.gather [hbm4b:s13+s16], $0x1, s3, s16, $0xb8;
	[tilespmem:$0xD400] =	vst v63  }
0x46: {  	s13 =	rddreg [dreg:$0xc];
	s21 =	simm.s32 $0x2200  }
0x47: {  	[tilespmem:s21], [sflag:$0x1] =	stream.indirect.gather [hbm4b:s13+s16], $0x1, s3, s16, $0xb8;
	[tilespmem:$0xD400] =	vst v63  }
0x48: {  	s13 =	rddreg [dreg:$0xd];
	s21 =	simm.s32 $0x2400  }
0x49: {  	[tilespmem:s21], [sflag:$0x1] =	stream.indirect.gather [hbm4b:s13+s16], $0x1, s3, s16, $0xb8;
	[tilespmem:$0xD400] =	vst v63  }
0x4a: {  	s13 =	rddreg [dreg:$0xf];
	s21 =	simm.s32 $0x2600  }
0x4b: {  	[tilespmem:s21], [sflag:$0x1] =	stream.indirect.gather [hbm4b:s13+s16], $0x1, s3, s16, $0xb8;
	[tilespmem:$0xD400] =	vst v63  }
0x4c: {  	s13 =	rddreg [dreg:$0x10];
	s21 =	simm.s32 $0x2800  }
0x4d: {  	[tilespmem:s21], [sflag:$0x1] =	stream.indirect.gather [hbm4b:s13+s16], $0x1, s3, s16, $0xb8;
	[tilespmem:$0xD400] =	vst v63  }
0x4e: {  	s13 =	rddreg [dreg:$0x11];
	s21 =	simm.s32 $0x2A00  }
0x4f: {  	[tilespmem:s21], [sflag:$0x1] =	stream.indirect.gather [hbm4b:s13+s16], $0x1, s3, s16, $0xb8;
	[tilespmem:$0xD400] =	vst v63  }
0x50: {  	s13 =	rddreg [dreg:$0x12];
	s21 =	simm.s32 $0x2C00  }
0x51: {  	[tilespmem:s21], [sflag:$0x1] =	stream.indirect.gather [hbm4b:s13+s16], $0x1, s3, s16, $0xb8;
	[tilespmem:$0xD400] =	vst v63  }
0x52: {  	s13 =	rddreg [dreg:$0x13];
	s21 =	simm.s32 $0x2E00  }
0x53: {  	[tilespmem:s21], [sflag:$0x1] =	stream.indirect.gather [hbm4b:s13+s16], $0x1, s3, s16, $0xb8;
	[tilespmem:$0xD400] =	vst v63  }
0x54: {  	s13 =	rddreg [dreg:$0x14];
	s21 =	simm.s32 $0x3000  }
0x55: {  	[tilespmem:s21], [sflag:$0x1] =	stream.indirect.gather [hbm4b:s13+s16], $0x1, s3, s16, $0xb8;
	[tilespmem:$0xD400] =	vst v63  }
0x56: {  	s13 =	rddreg [dreg:$0x15];
	s21 =	simm.s32 $0x3200  }
0x57: {  	[tilespmem:s21], [sflag:$0x1] =	stream.indirect.gather [hbm4b:s13+s16], $0x1, s3, s16, $0xb8;
	[tilespmem:$0xD400] =	vst v63  }
0x58: {  	_ =	swait.ge [sflag:s14], $0x200  }
0x59: {  	[sflag:s14] =	ssyncset.done $0x0  }
0x5a: {  	[sflag:s14] =	ssyncadd.s32 $0xFFFFFE00  }
0x5b: {  	_ =	swait.ge [sflag:s14], $0x200  }
0x5c: {  	[sflag:s14] =	ssyncset.done $0x0  }
0x5d: {  	[sflag:s14] =	ssyncadd.s32 $0xFFFFFE00  }
0x5e: {  	_ =	swait.ge [sflag:s14], $0x200  }
0x5f: {  	[sflag:s14] =	ssyncset.done $0x0  }
0x60: {  	[sflag:s14] =	ssyncadd.s32 $0xFFFFFE00  }
0x61: {  	_ =	swait.ge [sflag:s14], $0x200  }
0x62: {  	[sflag:s14] =	ssyncset.done $0x0  }
0x63: {  	[sflag:s14] =	ssyncadd.s32 $0xFFFFFE00  }
0x64: {  	_ =	swait.ge [sflag:s14], $0x200  }
0x65: {  	[sflag:s14] =	ssyncset.done $0x0  }
0x66: {  	[sflag:s14] =	ssyncadd.s32 $0xFFFFFE00  }
0x67: {  	_ =	swait.ge [sflag:s14], $0x200  }
0x68: {  	[sflag:s14] =	ssyncset.done $0x0  }
0x69: {  	[sflag:s14] =	ssyncadd.s32 $0xFFFFFE00  }
0x6a: {  	_ =	swait.ge [sflag:s14], $0x200  }
0x6b: {  	[sflag:s14] =	ssyncset.done $0x0  }
0x6c: {  	[sflag:s14] =	ssyncadd.s32 $0xFFFFFE00  }
0x6d: {  	_ =	swait.ge [sflag:s14], $0x200  }
0x6e: {  	[sflag:s14] =	ssyncset.done $0x0  }
0x6f: {  	[sflag:s14] =	ssyncadd.s32 $0xFFFFFE00  }
0x70: {  	_ =	swait.ge [sflag:s14], $0x200  }
0x71: {  	[sflag:s14] =	ssyncset.done $0x0  }
0x72: {  	[sflag:s14] =	ssyncadd.s32 $0xFFFFFE00  }
0x73: {  	_ =	swait.ge [sflag:s14], $0x200  }
0x74: {  	[sflag:s14] =	ssyncset.done $0x0  }
0x75: {  	[sflag:s14] =	ssyncadd.s32 $0xFFFFFE00  }
0x76: {  	_ =	swait.ge [sflag:s14], $0x200  }
0x77: {  	[sflag:s14] =	ssyncset.done $0x0  }
0x78: {  	[sflag:s14] =	ssyncadd.s32 $0xFFFFFE00  }
0x79: {  	_ =	swait.ge [sflag:s14], $0x200  }
0x7a: {  	[sflag:s14] =	ssyncset.done $0x0  }
0x7b: {  	[sflag:s14] =	ssyncadd.s32 $0xFFFFFE00  }
0x7c: {  	_ =	swait.ge [sflag:s14], $0x200  }
0x7d: {  	[sflag:s14] =	ssyncset.done $0x0  }
0x7e: {  	[sflag:s14] =	ssyncadd.s32 $0xFFFFFE00  }
0x7f: {  	_ =	swait.ge [sflag:s14], $0x200  }
0x80: {  	[sflag:s14] =	ssyncset.done $0x0  }
0x81: {  	[sflag:s14] =	ssyncadd.s32 $0xFFFFFE00  }
0x82: {  	_ =	swait.ge [sflag:s14], $0x200  }
0x83: {  	[sflag:s14] =	ssyncset.done $0x0  }
0x84: {  	[sflag:s14] =	ssyncadd.s32 $0xFFFFFE00  }
0x85: {  	_ =	swait.ge [sflag:s14], $0x200  }
0x86: {  	[sflag:s14] =	ssyncset.done $0x0  }
0x87: {  	s21 =	rddreg [dreg:$0x17];
	[sflag:s14] =	ssyncadd.s32 $0xFFFFFE00  }
0x88: {  	[hbm4b:s21+s16] =	stream.strided.scatter [tilespmem:s11], [sflag:$0x4], $0x2000, s22, s16, $0x38;
	[tilespmem:$0xD400] =	vst v63  }
0x89: {  	_ =	swait.ge [sflag:s15], $0x2000  }
0x8a: {  	[sflag:s15] =	ssyncset.done $0x0  }
0x8b: {  	s11 =	simm.s32 $0x3400;
	[sflag:s15] =	ssyncadd.s32 $0xFFFFE000  }
0x8c: {  	[tilespmem:s11], [sflag:$0x2] =	stream.indirect.gather [hbm4b:s5+s16], $0x1, s16, s16, $0xb8;
	[tilespmem:$0xD400] =	vst v63  }
0x8d: {  	s13 =	simm.s32 $0x3600  }
0x8e: {  	[tilespmem:s13], [sflag:$0x2] =	stream.indirect.gather [hbm4b:s23+s16], $0x1, s16, s16, $0xb8;
	[tilespmem:$0xD400] =	vst v63  }
0x8f: {  	s21 =	simm.s32 $0x3800  }
0x90: {  	[tilespmem:s21], [sflag:$0x2] =	stream.indirect.gather [hbm4b:s24+s16], $0x1, s16, s16, $0xb8;
	[tilespmem:$0xD400] =	vst v63  }
0x91: {  	s13 =	simm.s32 $0x3A00  }
0x92: {  	[tilespmem:s13], [sflag:$0x2] =	stream.indirect.gather [hbm4b:s25+s16], $0x1, s16, s16, $0xb8;
	[tilespmem:$0xD400] =	vst v63  }
0x93: {  	s21 =	simm.s32 $0x3C00  }
0x94: {  	[tilespmem:s21], [sflag:$0x2] =	stream.indirect.gather [hbm4b:s26+s16], $0x1, s16, s16, $0xb8;
	[tilespmem:$0xD400] =	vst v63  }
0x95: {  	s13 =	simm.s32 $0x3E00  }
0x96: {  	[tilespmem:s13], [sflag:$0x2] =	stream.indirect.gather [hbm4b:s28+s16], $0x1, s16, s16, $0xb8;
	[tilespmem:$0xD400] =	vst v63  }
0x97: {  	_ = 	snop  }
0x98: {  	[tilespmem:s22], [sflag:$0x2] =	stream.indirect.gather [hbm4b:s29+s16], $0x1, s16, s16, $0xb8;
	[tilespmem:$0xD400] =	vst v63  }
0x99: {  	s21 =	simm.s32 $0x4200  }
0x9a: {  	[tilespmem:s21], [sflag:$0x2] =	stream.indirect.gather [hbm4b:s30+s16], $0x1, s16, s16, $0xb8;
	[tilespmem:$0xD400] =	vst v63  }
0x9b: {  	s13 =	simm.s32 $0x4400  }
0x9c: {  	[tilespmem:s13], [sflag:$0x2] =	stream.indirect.gather [hbm4b:s31+s16], $0x1, s16, s16, $0xb8;
	[tilespmem:$0xD400] =	vst v63  }
0x9d: {  	s21 =	simm.s32 $0x4600  }
0x9e: {  	[tilespmem:s21], [sflag:$0x2] =	stream.indirect.gather [hbm4b:s1+s16], $0x1, s16, s16, $0xb8;
	[tilespmem:$0xD400] =	vst v63  }
0x9f: {  	s13 =	simm.s32 $0x4800  }
0xa0: {  	[tilespmem:s13], [sflag:$0x2] =	stream.indirect.gather [hbm4b:s2+s16], $0x1, s16, s16, $0xb8;
	[tilespmem:$0xD400] =	vst v63  }
0xa1: {  	s21 =	simm.s32 $0x4A00  }
0xa2: {  	[tilespmem:s21], [sflag:$0x2] =	stream.indirect.gather [hbm4b:s4+s16], $0x1, s16, s16, $0xb8;
	[tilespmem:$0xD400] =	vst v63  }
0xa3: {  	s13 =	simm.s32 $0x4C00  }
0xa4: {  	[tilespmem:s13], [sflag:$0x2] =	stream.indirect.gather [hbm4b:s6+s16], $0x1, s16, s16, $0xb8;
	[tilespmem:$0xD400] =	vst v63  }
0xa5: {  	s21 =	simm.s32 $0x4E00  }
0xa6: {  	[tilespmem:s21], [sflag:$0x2] =	stream.indirect.gather [hbm4b:s7+s16], $0x1, s16, s16, $0xb8;
	[tilespmem:$0xD400] =	vst v63  }
0xa7: {  	s13 =	simm.s32 $0x5000  }
0xa8: {  	[tilespmem:s13], [sflag:$0x2] =	stream.indirect.gather [hbm4b:s8+s16], $0x1, s16, s16, $0xb8;
	[tilespmem:$0xD400] =	vst v63  }
0xa9: {  	s21 =	simm.s32 $0x5200  }
0xaa: {  	[tilespmem:s21], [sflag:$0x2] =	stream.indirect.gather [hbm4b:s9+s16], $0x1, s16, s16, $0xb8;
	[tilespmem:$0xD400] =	vst v63  }
0xab: {  	_ =	swait.ge [sflag:s10], $0x200  }
0xac: {  	[sflag:s10] =	ssyncset.done $0x0  }
0xad: {  	[sflag:s10] =	ssyncadd.s32 $0xFFFFFE00  }
0xae: {  	_ =	swait.ge [sflag:s10], $0x200  }
0xaf: {  	[sflag:s10] =	ssyncset.done $0x0  }
0xb0: {  	[sflag:s10] =	ssyncadd.s32 $0xFFFFFE00  }
0xb1: {  	_ =	swait.ge [sflag:s10], $0x200  }
0xb2: {  	[sflag:s10] =	ssyncset.done $0x0  }
0xb3: {  	[sflag:s10] =	ssyncadd.s32 $0xFFFFFE00  }
0xb4: {  	_ =	swait.ge [sflag:s10], $0x200  }
0xb5: {  	[sflag:s10] =	ssyncset.done $0x0  }
0xb6: {  	[sflag:s10] =	ssyncadd.s32 $0xFFFFFE00  }
0xb7: {  	_ =	swait.ge [sflag:s10], $0x200  }
0xb8: {  	[sflag:s10] =	ssyncset.done $0x0  }
0xb9: {  	[sflag:s10] =	ssyncadd.s32 $0xFFFFFE00  }
0xba: {  	_ =	swait.ge [sflag:s10], $0x200  }
0xbb: {  	[sflag:s10] =	ssyncset.done $0x0  }
0xbc: {  	[sflag:s10] =	ssyncadd.s32 $0xFFFFFE00  }
0xbd: {  	_ =	swait.ge [sflag:s10], $0x200  }
0xbe: {  	[sflag:s10] =	ssyncset.done $0x0  }
0xbf: {  	[sflag:s10] =	ssyncadd.s32 $0xFFFFFE00  }
0xc0: {  	_ =	swait.ge [sflag:s10], $0x200  }
0xc1: {  	[sflag:s10] =	ssyncset.done $0x0  }
0xc2: {  	[sflag:s10] =	ssyncadd.s32 $0xFFFFFE00  }
0xc3: {  	_ =	swait.ge [sflag:s10], $0x200  }
0xc4: {  	[sflag:s10] =	ssyncset.done $0x0  }
0xc5: {  	[sflag:s10] =	ssyncadd.s32 $0xFFFFFE00  }
0xc6: {  	_ =	swait.ge [sflag:s10], $0x200  }
0xc7: {  	[sflag:s10] =	ssyncset.done $0x0  }
0xc8: {  	[sflag:s10] =	ssyncadd.s32 $0xFFFFFE00  }
0xc9: {  	_ =	swait.ge [sflag:s10], $0x200  }
0xca: {  	[sflag:s10] =	ssyncset.done $0x0  }
0xcb: {  	[sflag:s10] =	ssyncadd.s32 $0xFFFFFE00  }
0xcc: {  	_ =	swait.ge [sflag:s10], $0x200  }
0xcd: {  	[sflag:s10] =	ssyncset.done $0x0  }
0xce: {  	[sflag:s10] =	ssyncadd.s32 $0xFFFFFE00  }
0xcf: {  	_ =	swait.ge [sflag:s10], $0x200  }
0xd0: {  	[sflag:s10] =	ssyncset.done $0x0  }
0xd1: {  	[sflag:s10] =	ssyncadd.s32 $0xFFFFFE00  }
0xd2: {  	_ =	swait.ge [sflag:s10], $0x200  }
0xd3: {  	[sflag:s10] =	ssyncset.done $0x0  }
0xd4: {  	[sflag:s10] =	ssyncadd.s32 $0xFFFFFE00  }
0xd5: {  	_ =	swait.ge [sflag:s10], $0x200  }
0xd6: {  	[sflag:s10] =	ssyncset.done $0x0  }
0xd7: {  	[sflag:s10] =	ssyncadd.s32 $0xFFFFFE00  }
0xd8: {  	_ =	swait.ge [sflag:s10], $0x200  }
0xd9: {  	[sflag:s10] =	ssyncset.done $0x0  }
0xda: {  	s13 =	rddreg [dreg:$0x18];
	[sflag:s10] =	ssyncadd.s32 $0xFFFFFE00  }
0xdb: {  	[hbm4b:s13+s16] =	stream.strided.scatter [tilespmem:s11], [sflag:$0x4], $0x2000, s22, s16, $0x38;
	[tilespmem:$0xD400] =	vst v63  }
0xdc: {  	_ =	swait.ge [sflag:s15], $0x2000  }
0xdd: {  	[sflag:s15] =	ssyncset.done $0x0  }
0xde: {  	s11 =	simm.s32 $0x5400;
	[sflag:s15] =	ssyncadd.s32 $0xFFFFE000  }
0xdf: {  	[tilespmem:s11], [sflag:$0x3] =	stream.indirect.gather [hbm4b:s5+s17], $0x1, s18, s17, $0xb8;
	[tilespmem:$0xD400] =	vst v63  }
0xe0: {  	s21 =	simm.s32 $0x5C00  }
0xe1: {  	[tilespmem:s21], [sflag:$0x3] =	stream.indirect.gather [hbm4b:s23+s17], $0x1, s18, s17, $0xb8;
	[tilespmem:$0xD400] =	vst v63  }
0xe2: {  	s13 =	simm.s32 $0x6400  }
0xe3: {  	[tilespmem:s13], [sflag:$0x3] =	stream.indirect.gather [hbm4b:s24+s17], $0x1, s18, s17, $0xb8;
	[tilespmem:$0xD400] =	vst v63  }
0xe4: {  	s21 =	simm.s32 $0x6C00  }
0xe5: {  	[tilespmem:s21], [sflag:$0x3] =	stream.indirect.gather [hbm4b:s25+s17], $0x1, s18, s17, $0xb8;
	[tilespmem:$0xD400] =	vst v63  }
0xe6: {  	s13 =	simm.s32 $0x7400  }
0xe7: {  	[tilespmem:s13], [sflag:$0x3] =	stream.indirect.gather [hbm4b:s26+s17], $0x1, s18, s17, $0xb8;
	[tilespmem:$0xD400] =	vst v63  }
0xe8: {  	s21 =	simm.s32 $0x7C00  }
0xe9: {  	[tilespmem:s21], [sflag:$0x3] =	stream.indirect.gather [hbm4b:s28+s17], $0x1, s18, s17, $0xb8;
	[tilespmem:$0xD400] =	vst v63  }
0xea: {  	s13 =	simm.s32 $0x8400  }
0xeb: {  	[tilespmem:s13], [sflag:$0x3] =	stream.indirect.gather [hbm4b:s29+s17], $0x1, s18, s17, $0xb8;
	[tilespmem:$0xD400] =	vst v63  }
0xec: {  	s21 =	simm.s32 $0x8C00  }
0xed: {  	[tilespmem:s21], [sflag:$0x3] =	stream.indirect.gather [hbm4b:s30+s17], $0x1, s18, s17, $0xb8;
	[tilespmem:$0xD400] =	vst v63  }
0xee: {  	s13 =	simm.s32 $0x9400  }
0xef: {  	[tilespmem:s13], [sflag:$0x3] =	stream.indirect.gather [hbm4b:s31+s17], $0x1, s18, s17, $0xb8;
	[tilespmem:$0xD400] =	vst v63  }
0xf0: {  	s21 =	simm.s32 $0x9C00  }
0xf1: {  	[tilespmem:s21], [sflag:$0x3] =	stream.indirect.gather [hbm4b:s1+s17], $0x1, s18, s17, $0xb8;
	[tilespmem:$0xD400] =	vst v63  }
0xf2: {  	s13 =	simm.s32 $0xA400  }
0xf3: {  	[tilespmem:s13], [sflag:$0x3] =	stream.indirect.gather [hbm4b:s2+s17], $0x1, s18, s17, $0xb8;
	[tilespmem:$0xD400] =	vst v63  }
0xf4: {  	s21 =	simm.s32 $0xAC00  }
0xf5: {  	[tilespmem:s21], [sflag:$0x3] =	stream.indirect.gather [hbm4b:s4+s17], $0x1, s18, s17, $0xb8;
	[tilespmem:$0xD400] =	vst v63  }
0xf6: {  	s13 =	simm.s32 $0xB400  }
0xf7: {  	[tilespmem:s13], [sflag:$0x3] =	stream.indirect.gather [hbm4b:s6+s17], $0x1, s18, s17, $0xb8;
	[tilespmem:$0xD400] =	vst v63  }
0xf8: {  	s21 =	simm.s32 $0xBC00  }
0xf9: {  	[tilespmem:s21], [sflag:$0x3] =	stream.indirect.gather [hbm4b:s7+s17], $0x1, s18, s17, $0xb8;
	[tilespmem:$0xD400] =	vst v63  }
0xfa: {  	s13 =	simm.s32 $0xC400  }
0xfb: {  	[tilespmem:s13], [sflag:$0x3] =	stream.indirect.gather [hbm4b:s8+s17], $0x1, s18, s17, $0xb8;
	[tilespmem:$0xD400] =	vst v63  }
0xfc: {  	s21 =	simm.s32 $0xCC00  }
0xfd: {  	[tilespmem:s21], [sflag:$0x3] =	stream.indirect.gather [hbm4b:s9+s17], $0x1, s18, s17, $0xb8;
	[tilespmem:$0xD400] =	vst v63  }
0xfe: {  	_ =	swait.ge [sflag:s20], $0x800  }
0xff: {  	[sflag:s20] =	ssyncset.done $0x0  }
0x100: {  	[sflag:s20] =	ssyncadd.s32 $0xFFFFF800  }
0x101: {  	_ =	swait.ge [sflag:s20], $0x800  }
0x102: {  	[sflag:s20] =	ssyncset.done $0x0  }
0x103: {  	[sflag:s20] =	ssyncadd.s32 $0xFFFFF800  }
0x104: {  	_ =	swait.ge [sflag:s20], $0x800  }
0x105: {  	[sflag:s20] =	ssyncset.done $0x0  }
0x106: {  	[sflag:s20] =	ssyncadd.s32 $0xFFFFF800  }
0x107: {  	_ =	swait.ge [sflag:s20], $0x800  }
0x108: {  	[sflag:s20] =	ssyncset.done $0x0  }
0x109: {  	[sflag:s20] =	ssyncadd.s32 $0xFFFFF800  }
0x10a: {  	_ =	swait.ge [sflag:s20], $0x800  }
0x10b: {  	[sflag:s20] =	ssyncset.done $0x0  }
0x10c: {  	[sflag:s20] =	ssyncadd.s32 $0xFFFFF800  }
0x10d: {  	_ =	swait.ge [sflag:s20], $0x800  }
0x10e: {  	[sflag:s20] =	ssyncset.done $0x0  }
0x10f: {  	[sflag:s20] =	ssyncadd.s32 $0xFFFFF800  }
0x110: {  	_ =	swait.ge [sflag:s20], $0x800  }
0x111: {  	[sflag:s20] =	ssyncset.done $0x0  }
0x112: {  	[sflag:s20] =	ssyncadd.s32 $0xFFFFF800  }
0x113: {  	_ =	swait.ge [sflag:s20], $0x800  }
0x114: {  	[sflag:s20] =	ssyncset.done $0x0  }
0x115: {  	[sflag:s20] =	ssyncadd.s32 $0xFFFFF800  }
0x116: {  	_ =	swait.ge [sflag:s20], $0x800  }
0x117: {  	[sflag:s20] =	ssyncset.done $0x0  }
0x118: {  	[sflag:s20] =	ssyncadd.s32 $0xFFFFF800  }
0x119: {  	_ =	swait.ge [sflag:s20], $0x800  }
0x11a: {  	[sflag:s20] =	ssyncset.done $0x0  }
0x11b: {  	[sflag:s20] =	ssyncadd.s32 $0xFFFFF800  }
0x11c: {  	_ =	swait.ge [sflag:s20], $0x800  }
0x11d: {  	[sflag:s20] =	ssyncset.done $0x0  }
0x11e: {  	[sflag:s20] =	ssyncadd.s32 $0xFFFFF800  }
0x11f: {  	_ =	swait.ge [sflag:s20], $0x800  }
0x120: {  	[sflag:s20] =	ssyncset.done $0x0  }
0x121: {  	[sflag:s20] =	ssyncadd.s32 $0xFFFFF800  }
0x122: {  	_ =	swait.ge [sflag:s20], $0x800  }
0x123: {  	[sflag:s20] =	ssyncset.done $0x0  }
0x124: {  	[sflag:s20] =	ssyncadd.s32 $0xFFFFF800  }
0x125: {  	_ =	swait.ge [sflag:s20], $0x800  }
0x126: {  	[sflag:s20] =	ssyncset.done $0x0  }
0x127: {  	[sflag:s20] =	ssyncadd.s32 $0xFFFFF800  }
0x128: {  	_ =	swait.ge [sflag:s20], $0x800  }
0x129: {  	[sflag:s20] =	ssyncset.done $0x0  }
0x12a: {  	[sflag:s20] =	ssyncadd.s32 $0xFFFFF800  }
0x12b: {  	_ =	swait.ge [sflag:s20], $0x800  }
0x12c: {  	[sflag:s20] =	ssyncset.done $0x0  }
0x12d: {  	s13 =	rddreg [dreg:$0x19];
	[sflag:s20] =	ssyncadd.s32 $0xFFFFF800  }
0x12e: {  	[hbm4b:s13+s17] =	stream.strided.scatter [tilespmem:s11], [sflag:$0x4], $0x8000, s22, s17, $0x38;
	[tilespmem:$0xD400] =	vst v63  }
0x12f: {  	_ =	swait.ge [sflag:s15], $0x8000  }
0x130: {  	s12 =	sadd.s32 $0x1, s12;
	s21 =	rddreg [dreg:$0x1a]  }
0x131: {  	p0 =	sne.s32 s12, s21  }
.Ltmp1:
0x132: {  	_ = 	snop;
	(pc) =	sbr.rel @p0 .LBB2_1-.Ltmp1, $3  }
0x133: {  	_ =	sdelay $0x1  }
0x134: {  	[sflag:s15] =	ssyncset.done $0x0  }
0x135: {  	[sflag:s15] =	ssyncadd.s32 $0xFFFF8000  }
0x136: {  	_ =	sfence.sel $0x180000  }
0x137: {  	[bflag:$0x0] =	sbarrier.arrive $0xFFFF  }
0x138: {  	_ =	strace $0x90000047  }
0x139: {  	s0 =	stileid.u32;
	[bflag:$0x2] =	sbarrier.arrive $0xFFFF  }
0x13a: {  	p0 =	sne.s32 s0, $0x0;
	s0 =	rddreg [dreg:$0x4]  }
0x13b: {  	s0 =	sadd.s32 @!p0 $0x100000, s0  }
0x13c: {  	[sflag:s0] =	ssyncadd.tile.s32 @!p0 $0x1;
	_ =	shalt  }
.Lfunc_end2:
_tile_overlayer_lowered:
.L_overlay_start_2:
0x13d: {  	(tag) =	ssettag $0x2  }
0x13e: {  	s0 =	rddreg [dreg:$0x0];
	s2 =	stileid.u32  }
0x13f: {  	s1 =	rddreg [dreg:$0x1];
	p0 =	sne.s32 s2, $0x0  }
0x140: {  	s3 =	rddreg [dreg:$0x2];
	[bflag:$0x3] =	sbarrier.arrive $0xFFFF;
	s2 =	simm.s32 @!p0 $0x1C04  }
0x141: {  	[timem:s3], [sflag:s2] =	dma.local @!p0 [hbm:s0], s1  }
0x142: {  	s0 =	simm.s32 @!p0 $0x4  }
0x143: {  	_ =	swait.ge @!p0 [sflag:s0], s1  }
0x144: {  	s1 =	ssub.s32 @!p0 $0x0, s1;
	[sflag:s0] =	ssyncset.done @!p0 $0x0  }
0x145: {  	[sflag:s0] =	ssyncadd.s32 @!p0 s1  }
0x146: {  	[bflag:$0x3] =	sbarrier.arrive $0xFFFF  }
0x147: {  	_ =	shalt  }

</sc_bundles>
